<compile_context>
chip_gen: v7x
topology: tpu7x:2x2x1
jax: 0.10.2.dev20260603
libtpu: 0.0.44.dev20260713+nightly
codegen_flags: <defaults>
</compile_context>

<pallas_src>
import jax
import jax.numpy as jnp
from jax import lax
from jax.experimental import pallas as pl
from jax.experimental.pallas import tpu as pltpu
from jax.experimental.pallas import tpu_sc as plsc

BATCH = 16384
EMB = 32
NUM_CORES = 2
NUM_SUBCORES = 16
NUM_WORKERS = NUM_CORES * NUM_SUBCORES
BPW = BATCH // NUM_WORKERS
CHUNK = 128
NCHUNKS = BPW // CHUNK
LANES = 16

_MESH = plsc.VectorSubcoreMesh(core_axis_name="c", subcore_axis_name="s")
_PARAMS = pltpu.CompilerParams(
    needs_layout_passes=False, use_tc_tiling_on_sc=False)


def _gather_body(idx_hbm, tab_hbm, out_hbm, idx, rows, sem):
    wid = lax.axis_index("s") * NUM_CORES + lax.axis_index("c")
    pltpu.sync_copy(idx_hbm.at[wid], idx)
    for c in range(NCHUNKS):
        pltpu.async_copy(
            tab_hbm.at[idx.at[c]], rows.at[pl.ds(c * CHUNK, CHUNK)], sem
        ).wait()
    pltpu.sync_copy(rows, out_hbm.at[pl.ds(wid * BPW, BPW)])


def _dot_body(u_hbm, i_hbm, out_hbm, urows, irows, outv, usem, isem):
    wid = lax.axis_index("s") * NUM_CORES + lax.axis_index("c")
    ucp = pltpu.async_copy(u_hbm.at[pl.ds(wid * BPW, BPW)], urows, usem)
    icp = pltpu.async_copy(i_hbm.at[pl.ds(wid * BPW, BPW)], irows, isem)
    ucp.wait()
    icp.wait()

    @pl.loop(0, BPW, step=LANES)
    def _(i0):
        rows = lax.iota(jnp.int32, LANES) + i0
        cols0 = jnp.zeros((LANES,), jnp.int32)
        acc = (plsc.load_gather(urows, [rows, cols0]) *
               plsc.load_gather(irows, [rows, cols0]))
        for j in range(1, EMB):
            cols = jnp.full((LANES,), j, jnp.int32)
            acc = acc + (plsc.load_gather(urows, [rows, cols]) *
                         plsc.load_gather(irows, [rows, cols]))
        outv[pl.ds(i0, LANES)] = acc

    pltpu.sync_copy(outv, out_hbm.at[pl.ds(wid * BPW, BPW)])


def _gather(idx3, table):
    run = pl.kernel(
        _gather_body,
        out_type=jax.ShapeDtypeStruct((BATCH, EMB), jnp.float32),
        mesh=_MESH,
        compiler_params=_PARAMS,
        scratch_types=[
            pltpu.VMEM((NCHUNKS, CHUNK), jnp.int32),
            pltpu.VMEM((BPW, EMB), jnp.float32),
            pltpu.SemaphoreType.DMA,
        ],
    )
    return run(idx3, table)


@jax.jit
def _mf(user3, item3, user_table, item_table):
    u_rows = _gather(user3, user_table)
    i_rows = _gather(item3, item_table)
    run = pl.kernel(
        _dot_body,
        out_type=jax.ShapeDtypeStruct((BATCH,), jnp.float32),
        mesh=_MESH,
        compiler_params=_PARAMS,
        scratch_types=[
            pltpu.VMEM((BPW, EMB), jnp.float32),
            pltpu.VMEM((BPW, EMB), jnp.float32),
            pltpu.VMEM((BPW,), jnp.float32),
            pltpu.SemaphoreType.DMA,
            pltpu.SemaphoreType.DMA,
        ],
    )
    return run(u_rows, i_rows)


def kernel(user, item, user_table, item_table):
    user3 = user.astype(jnp.int32).reshape(NUM_WORKERS, NCHUNKS, CHUNK)
    item3 = item.astype(jnp.int32).reshape(NUM_WORKERS, NCHUNKS, CHUNK)
    return _mf(user3, item3, user_table, item_table)

# --- scband reference (transcript-rebuilt; emitter-appended) ---
"""Pipeline reference for scband-matrix-factorization-70875550319008 (READ-ONLY COPY).

The authoritative reference and input builder live on the scoring server;
editing this copy changes nothing except your own understanding.
"""

import jax, jax.numpy as jnp
import numpy as np

NUM_USERS = 1000000
NUM_ITEMS = 1000000
EMB = 32
BATCH = 16384

def setup_inputs(seed: int = 0) -> dict:
    key = jax.random.key(seed)
    k1, k2, k3, k4 = jax.random.split(key, 4)
    user = jax.random.randint(k1, (BATCH,), 0, NUM_USERS, dtype=jnp.int64 if jax.config.jax_enable_x64 else jnp.int32)
    item = jax.random.randint(k2, (BATCH,), 0, NUM_ITEMS, dtype=jnp.int64 if jax.config.jax_enable_x64 else jnp.int32)
    user_table = jax.random.normal(k3, (NUM_USERS, EMB), dtype=jnp.float32)
    item_table = jax.random.normal(k4, (NUM_ITEMS, EMB), dtype=jnp.float32)
    return {"user": user, "item": item, "user_table": user_table, "item_table": item_table}

def reference(user, item, user_table, item_table):
    user_emb = jnp.take(user_table, user, axis=0)
    item_emb = jnp.take(item_table, item, axis=0)
    return (user_emb * item_emb).sum(axis=1)

if __name__ == "__main__":
    import jax
    _d = setup_inputs()
    print(jax.jit(kernel)(*tuple(_d.values())))

</pallas_src>

<mosaic_0001>
#map = affine_map<(d0, d1) -> (0, 0, 0)>
#map1 = affine_map<(d0, d1) -> (0, 0)>
module attributes {stable_mosaic.version = 14 : i64} {
  func.func @_gather_body(%arg0: i32, %arg1: i32, %arg2: memref<32x4x128xi32, #tpu.memory_space<hbm>>, %arg3: memref<1000000x32xf32, #tpu.memory_space<hbm>>, %arg4: memref<16384x32xf32, #tpu.memory_space<hbm>>, %arg5: memref<4x128xi32, #tpu.memory_space<vmem>>, %arg6: memref<512x32xf32, #tpu.memory_space<vmem>>, %arg7: memref<!tpu.dma_semaphore, #tpu.memory_space<semaphore_mem>>) attributes {dimension_semantics = [#tpu.dimension_semantics<core_parallel>, #tpu.dimension_semantics<subcore_parallel>], iteration_bounds = array<i64: 2, 16>, scalar_prefetch = 0 : i64, scratch_operands = 3 : i64, tpu.core_type = #tpu.core_type<sc_vector_subcore>, window_params = [{transform_indices = #map}, {transform_indices = #map1}, {transform_indices = #map1}]} {
    %mul3A = arith.constant 2 : i32
    %mul3A_0 = arith.muli %arg1, %mul3A : i32
    %add3A = arith.addi %mul3A_0, %arg0 : i32
    "tpu.region"() ({
      %run_scoped3A = tpu.sem_alloc : memref<!tpu.dma_semaphore, #tpu.memory_space<semaphore_mem>>
      %dma_start3A_81 = arith.constant 0 : i32
      %dma_start3A_82 = arith.constant 0 : i32
      %dma_start3A_83 = tpu.memref_slice %arg2[%add3A, %dma_start3A_81, %dma_start3A_82] : memref<32x4x128xi32, #tpu.memory_space<hbm>> -> memref<1x4x128xi32, #tpu.memory_space<hbm>>
      %dma_start3A_84 = tpu.memref_squeeze %dma_start3A_83 : memref<1x4x128xi32, #tpu.memory_space<hbm>> -> memref<4x128xi32, #tpu.memory_space<hbm>>
      %dma_start3A_85 = arith.constant 0 : i32
      %dma_start3A_86 = arith.constant 0 : i32
      %dma_start3A_87 = tpu.memref_slice %arg2[%add3A, %dma_start3A_85, %dma_start3A_86] : memref<32x4x128xi32, #tpu.memory_space<hbm>> -> memref<1x4x128xi32, #tpu.memory_space<hbm>>
      %dma_start3A_88 = tpu.memref_squeeze %dma_start3A_87 : memref<1x4x128xi32, #tpu.memory_space<hbm>> -> memref<4x128xi32, #tpu.memory_space<hbm>>
      tpu.enqueue_dma source(%dma_start3A_88 : memref<4x128xi32, #tpu.memory_space<hbm>>) target(%arg5 : memref<4x128xi32, #tpu.memory_space<vmem>>) target_semaphore(%run_scoped3A : memref<!tpu.dma_semaphore, #tpu.memory_space<semaphore_mem>>)
      %dma_wait3A_89 = arith.constant 0 : i32
      %dma_wait3A_90 = arith.constant 0 : i32
      %dma_wait3A_91 = tpu.memref_slice %arg2[%add3A, %dma_wait3A_89, %dma_wait3A_90] : memref<32x4x128xi32, #tpu.memory_space<hbm>> -> memref<1x4x128xi32, #tpu.memory_space<hbm>>
      %dma_wait3A_92 = tpu.memref_squeeze %dma_wait3A_91 : memref<1x4x128xi32, #tpu.memory_space<hbm>> -> memref<4x128xi32, #tpu.memory_space<hbm>>
      %dma_wait3A_93 = arith.constant 0 : i32
      %dma_wait3A_94 = arith.constant 0 : i32
      %dma_wait3A_95 = tpu.memref_slice %arg2[%add3A, %dma_wait3A_93, %dma_wait3A_94] : memref<32x4x128xi32, #tpu.memory_space<hbm>> -> memref<1x4x128xi32, #tpu.memory_space<hbm>>
      %dma_wait3A_96 = tpu.memref_squeeze %dma_wait3A_95 : memref<1x4x128xi32, #tpu.memory_space<hbm>> -> memref<4x128xi32, #tpu.memory_space<hbm>>
      tpu.wait_dma2 semaphore(%run_scoped3A : memref<!tpu.dma_semaphore, #tpu.memory_space<semaphore_mem>>) src(%dma_wait3A_96 : memref<4x128xi32, #tpu.memory_space<hbm>>) dst(%arg5 : memref<4x128xi32, #tpu.memory_space<vmem>>)
      tpu.yield
    }) : () -> ()
    %dma_start3A = arith.constant 0 : i32
    %dma_start3A_1 = arith.constant 0 : i32
    %dma_start3A_2 = arith.constant 0 : i32
    %dma_start3A_3 = tpu.memref_slice %arg6[%dma_start3A_1, %dma_start3A_2] : memref<512x32xf32, #tpu.memory_space<vmem>> -> memref<128x32xf32, #tpu.memory_space<vmem>>
    %dma_start3A_4 = arith.constant 0 : i32
    %dma_start3A_5 = tpu.memref_slice %arg5[%dma_start3A, %dma_start3A_4] : memref<4x128xi32, #tpu.memory_space<vmem>> -> memref<1x128xi32, #tpu.memory_space<vmem>>
    %dma_start3A_6 = tpu.memref_squeeze %dma_start3A_5 : memref<1x128xi32, #tpu.memory_space<vmem>> -> memref<128xi32, #tpu.memory_space<vmem>>
    %dma_start3A_7 = arith.constant 0 : i32
    %dma_start3A_8 = arith.constant 0 : i32
    %dma_start3A_9 = tpu.memref_slice %arg3[%dma_start3A_7, %dma_start3A_8] : memref<1000000x32xf32, #tpu.memory_space<hbm>> -> memref<1000000x32xf32, #tpu.memory_space<hbm>>
    tpu.enqueue_indirect_dma source(%dma_start3A_9 : memref<1000000x32xf32, #tpu.memory_space<hbm>>) target(%dma_start3A_3 : memref<128x32xf32, #tpu.memory_space<vmem>>) offsets(%dma_start3A_6 : memref<128xi32, #tpu.memory_space<vmem>>) semaphore(%arg7 : memref<!tpu.dma_semaphore, #tpu.memory_space<semaphore_mem>>)
    %dma_wait3A = arith.constant 0 : i32
    %dma_wait3A_10 = arith.constant 0 : i32
    %dma_wait3A_11 = arith.constant 0 : i32
    %dma_wait3A_12 = tpu.memref_slice %arg6[%dma_wait3A_10, %dma_wait3A_11] : memref<512x32xf32, #tpu.memory_space<vmem>> -> memref<128x32xf32, #tpu.memory_space<vmem>>
    %dma_wait3A_13 = arith.constant 0 : i32
    %dma_wait3A_14 = tpu.memref_slice %arg5[%dma_wait3A, %dma_wait3A_13] : memref<4x128xi32, #tpu.memory_space<vmem>> -> memref<1x128xi32, #tpu.memory_space<vmem>>
    %dma_wait3A_15 = tpu.memref_squeeze %dma_wait3A_14 : memref<1x128xi32, #tpu.memory_space<vmem>> -> memref<128xi32, #tpu.memory_space<vmem>>
    %dma_wait3A_16 = arith.constant 0 : i32
    %dma_wait3A_17 = arith.constant 0 : i32
    %dma_wait3A_18 = tpu.memref_slice %arg3[%dma_wait3A_16, %dma_wait3A_17] : memref<1000000x32xf32, #tpu.memory_space<hbm>> -> memref<1000000x32xf32, #tpu.memory_space<hbm>>
    tpu.wait_indirect_dma semaphore(%arg7 : memref<!tpu.dma_semaphore, #tpu.memory_space<semaphore_mem>>) src(%dma_wait3A_18 : memref<1000000x32xf32, #tpu.memory_space<hbm>>) dst(%dma_wait3A_12 : memref<128x32xf32, #tpu.memory_space<vmem>>)
    %dma_start3A_19 = arith.constant 1 : i32
    %dma_start3A_20 = arith.constant 128 : i32
    %dma_start3A_21 = arith.constant 0 : i32
    %dma_start3A_22 = tpu.memref_slice %arg6[%dma_start3A_20, %dma_start3A_21] : memref<512x32xf32, #tpu.memory_space<vmem>> -> memref<128x32xf32, #tpu.memory_space<vmem>>
    %dma_start3A_23 = arith.constant 0 : i32
    %dma_start3A_24 = tpu.memref_slice %arg5[%dma_start3A_19, %dma_start3A_23] : memref<4x128xi32, #tpu.memory_space<vmem>> -> memref<1x128xi32, #tpu.memory_space<vmem>>
    %dma_start3A_25 = tpu.memref_squeeze %dma_start3A_24 : memref<1x128xi32, #tpu.memory_space<vmem>> -> memref<128xi32, #tpu.memory_space<vmem>>
    %dma_start3A_26 = arith.constant 0 : i32
    %dma_start3A_27 = arith.constant 0 : i32
    %dma_start3A_28 = tpu.memref_slice %arg3[%dma_start3A_26, %dma_start3A_27] : memref<1000000x32xf32, #tpu.memory_space<hbm>> -> memref<1000000x32xf32, #tpu.memory_space<hbm>>
    tpu.enqueue_indirect_dma source(%dma_start3A_28 : memref<1000000x32xf32, #tpu.memory_space<hbm>>) target(%dma_start3A_22 : memref<128x32xf32, #tpu.memory_space<vmem>>) offsets(%dma_start3A_25 : memref<128xi32, #tpu.memory_space<vmem>>) semaphore(%arg7 : memref<!tpu.dma_semaphore, #tpu.memory_space<semaphore_mem>>)
    %dma_wait3A_29 = arith.constant 1 : i32
    %dma_wait3A_30 = arith.constant 128 : i32
    %dma_wait3A_31 = arith.constant 0 : i32
    %dma_wait3A_32 = tpu.memref_slice %arg6[%dma_wait3A_30, %dma_wait3A_31] : memref<512x32xf32, #tpu.memory_space<vmem>> -> memref<128x32xf32, #tpu.memory_space<vmem>>
    %dma_wait3A_33 = arith.constant 0 : i32
    %dma_wait3A_34 = tpu.memref_slice %arg5[%dma_wait3A_29, %dma_wait3A_33] : memref<4x128xi32, #tpu.memory_space<vmem>> -> memref<1x128xi32, #tpu.memory_space<vmem>>
    %dma_wait3A_35 = tpu.memref_squeeze %dma_wait3A_34 : memref<1x128xi32, #tpu.memory_space<vmem>> -> memref<128xi32, #tpu.memory_space<vmem>>
    %dma_wait3A_36 = arith.constant 0 : i32
    %dma_wait3A_37 = arith.constant 0 : i32
    %dma_wait3A_38 = tpu.memref_slice %arg3[%dma_wait3A_36, %dma_wait3A_37] : memref<1000000x32xf32, #tpu.memory_space<hbm>> -> memref<1000000x32xf32, #tpu.memory_space<hbm>>
    tpu.wait_indirect_dma semaphore(%arg7 : memref<!tpu.dma_semaphore, #tpu.memory_space<semaphore_mem>>) src(%dma_wait3A_38 : memref<1000000x32xf32, #tpu.memory_space<hbm>>) dst(%dma_wait3A_32 : memref<128x32xf32, #tpu.memory_space<vmem>>)
    %dma_start3A_39 = arith.constant 2 : i32
    %dma_start3A_40 = arith.constant 256 : i32
    %dma_start3A_41 = arith.constant 0 : i32
    %dma_start3A_42 = tpu.memref_slice %arg6[%dma_start3A_40, %dma_start3A_41] : memref<512x32xf32, #tpu.memory_space<vmem>> -> memref<128x32xf32, #tpu.memory_space<vmem>>
    %dma_start3A_43 = arith.constant 0 : i32
    %dma_start3A_44 = tpu.memref_slice %arg5[%dma_start3A_39, %dma_start3A_43] : memref<4x128xi32, #tpu.memory_space<vmem>> -> memref<1x128xi32, #tpu.memory_space<vmem>>
    %dma_start3A_45 = tpu.memref_squeeze %dma_start3A_44 : memref<1x128xi32, #tpu.memory_space<vmem>> -> memref<128xi32, #tpu.memory_space<vmem>>
    %dma_start3A_46 = arith.constant 0 : i32
    %dma_start3A_47 = arith.constant 0 : i32
    %dma_start3A_48 = tpu.memref_slice %arg3[%dma_start3A_46, %dma_start3A_47] : memref<1000000x32xf32, #tpu.memory_space<hbm>> -> memref<1000000x32xf32, #tpu.memory_space<hbm>>
    tpu.enqueue_indirect_dma source(%dma_start3A_48 : memref<1000000x32xf32, #tpu.memory_space<hbm>>) target(%dma_start3A_42 : memref<128x32xf32, #tpu.memory_space<vmem>>) offsets(%dma_start3A_45 : memref<128xi32, #tpu.memory_space<vmem>>) semaphore(%arg7 : memref<!tpu.dma_semaphore, #tpu.memory_space<semaphore_mem>>)
    %dma_wait3A_49 = arith.constant 2 : i32
    %dma_wait3A_50 = arith.constant 256 : i32
    %dma_wait3A_51 = arith.constant 0 : i32
    %dma_wait3A_52 = tpu.memref_slice %arg6[%dma_wait3A_50, %dma_wait3A_51] : memref<512x32xf32, #tpu.memory_space<vmem>> -> memref<128x32xf32, #tpu.memory_space<vmem>>
    %dma_wait3A_53 = arith.constant 0 : i32
    %dma_wait3A_54 = tpu.memref_slice %arg5[%dma_wait3A_49, %dma_wait3A_53] : memref<4x128xi32, #tpu.memory_space<vmem>> -> memref<1x128xi32, #tpu.memory_space<vmem>>
    %dma_wait3A_55 = tpu.memref_squeeze %dma_wait3A_54 : memref<1x128xi32, #tpu.memory_space<vmem>> -> memref<128xi32, #tpu.memory_space<vmem>>
    %dma_wait3A_56 = arith.constant 0 : i32
    %dma_wait3A_57 = arith.constant 0 : i32
    %dma_wait3A_58 = tpu.memref_slice %arg3[%dma_wait3A_56, %dma_wait3A_57] : memref<1000000x32xf32, #tpu.memory_space<hbm>> -> memref<1000000x32xf32, #tpu.memory_space<hbm>>
    tpu.wait_indirect_dma semaphore(%arg7 : memref<!tpu.dma_semaphore, #tpu.memory_space<semaphore_mem>>) src(%dma_wait3A_58 : memref<1000000x32xf32, #tpu.memory_space<hbm>>) dst(%dma_wait3A_52 : memref<128x32xf32, #tpu.memory_space<vmem>>)
    %dma_start3A_59 = arith.constant 3 : i32
    %dma_start3A_60 = arith.constant 384 : i32
    %dma_start3A_61 = arith.constant 0 : i32
    %dma_start3A_62 = tpu.memref_slice %arg6[%dma_start3A_60, %dma_start3A_61] : memref<512x32xf32, #tpu.memory_space<vmem>> -> memref<128x32xf32, #tpu.memory_space<vmem>>
    %dma_start3A_63 = arith.constant 0 : i32
    %dma_start3A_64 = tpu.memref_slice %arg5[%dma_start3A_59, %dma_start3A_63] : memref<4x128xi32, #tpu.memory_space<vmem>> -> memref<1x128xi32, #tpu.memory_space<vmem>>
    %dma_start3A_65 = tpu.memref_squeeze %dma_start3A_64 : memref<1x128xi32, #tpu.memory_space<vmem>> -> memref<128xi32, #tpu.memory_space<vmem>>
    %dma_start3A_66 = arith.constant 0 : i32
    %dma_start3A_67 = arith.constant 0 : i32
    %dma_start3A_68 = tpu.memref_slice %arg3[%dma_start3A_66, %dma_start3A_67] : memref<1000000x32xf32, #tpu.memory_space<hbm>> -> memref<1000000x32xf32, #tpu.memory_space<hbm>>
    tpu.enqueue_indirect_dma source(%dma_start3A_68 : memref<1000000x32xf32, #tpu.memory_space<hbm>>) target(%dma_start3A_62 : memref<128x32xf32, #tpu.memory_space<vmem>>) offsets(%dma_start3A_65 : memref<128xi32, #tpu.memory_space<vmem>>) semaphore(%arg7 : memref<!tpu.dma_semaphore, #tpu.memory_space<semaphore_mem>>)
    %dma_wait3A_69 = arith.constant 3 : i32
    %dma_wait3A_70 = arith.constant 384 : i32
    %dma_wait3A_71 = arith.constant 0 : i32
    %dma_wait3A_72 = tpu.memref_slice %arg6[%dma_wait3A_70, %dma_wait3A_71] : memref<512x32xf32, #tpu.memory_space<vmem>> -> memref<128x32xf32, #tpu.memory_space<vmem>>
    %dma_wait3A_73 = arith.constant 0 : i32
    %dma_wait3A_74 = tpu.memref_slice %arg5[%dma_wait3A_69, %dma_wait3A_73] : memref<4x128xi32, #tpu.memory_space<vmem>> -> memref<1x128xi32, #tpu.memory_space<vmem>>
    %dma_wait3A_75 = tpu.memref_squeeze %dma_wait3A_74 : memref<1x128xi32, #tpu.memory_space<vmem>> -> memref<128xi32, #tpu.memory_space<vmem>>
    %dma_wait3A_76 = arith.constant 0 : i32
    %dma_wait3A_77 = arith.constant 0 : i32
    %dma_wait3A_78 = tpu.memref_slice %arg3[%dma_wait3A_76, %dma_wait3A_77] : memref<1000000x32xf32, #tpu.memory_space<hbm>> -> memref<1000000x32xf32, #tpu.memory_space<hbm>>
    tpu.wait_indirect_dma semaphore(%arg7 : memref<!tpu.dma_semaphore, #tpu.memory_space<semaphore_mem>>) src(%dma_wait3A_78 : memref<1000000x32xf32, #tpu.memory_space<hbm>>) dst(%dma_wait3A_72 : memref<128x32xf32, #tpu.memory_space<vmem>>)
    %mul3A_79 = arith.constant 512 : i32
    %mul3A_80 = arith.muli %add3A, %mul3A_79 : i32
    "tpu.region"() ({
      %run_scoped3A = tpu.sem_alloc : memref<!tpu.dma_semaphore, #tpu.memory_space<semaphore_mem>>
      %dma_start3A_81 = arith.constant 0 : i32
      %dma_start3A_82 = tpu.memref_slice %arg4[%mul3A_80, %dma_start3A_81] : memref<16384x32xf32, #tpu.memory_space<hbm>> -> memref<512x32xf32, #tpu.memory_space<hbm>>
      %dma_start3A_83 = arith.constant 0 : i32
      %dma_start3A_84 = tpu.memref_slice %arg4[%mul3A_80, %dma_start3A_83] : memref<16384x32xf32, #tpu.memory_space<hbm>> -> memref<512x32xf32, #tpu.memory_space<hbm>>
      tpu.enqueue_dma source(%arg6 : memref<512x32xf32, #tpu.memory_space<vmem>>) target(%dma_start3A_84 : memref<512x32xf32, #tpu.memory_space<hbm>>) target_semaphore(%run_scoped3A : memref<!tpu.dma_semaphore, #tpu.memory_space<semaphore_mem>>)
      %dma_wait3A_85 = arith.constant 0 : i32
      %dma_wait3A_86 = tpu.memref_slice %arg4[%mul3A_80, %dma_wait3A_85] : memref<16384x32xf32, #tpu.memory_space<hbm>> -> memref<512x32xf32, #tpu.memory_space<hbm>>
      %dma_wait3A_87 = arith.constant 0 : i32
      %dma_wait3A_88 = tpu.memref_slice %arg4[%mul3A_80, %dma_wait3A_87] : memref<16384x32xf32, #tpu.memory_space<hbm>> -> memref<512x32xf32, #tpu.memory_space<hbm>>
      tpu.wait_dma2 semaphore(%run_scoped3A : memref<!tpu.dma_semaphore, #tpu.memory_space<semaphore_mem>>) src(%arg6 : memref<512x32xf32, #tpu.memory_space<vmem>>) dst(%dma_wait3A_88 : memref<512x32xf32, #tpu.memory_space<hbm>>)
      tpu.yield
    }) : () -> ()
    return
  }
}

#map = affine_map<(d0, d1) -> (0, 0, 0)>
#map1 = affine_map<(d0, d1) -> (0, 0)>
module attributes {stable_mosaic.version = 14 : i64} {
  func.func @_gather_body(%arg0: i32, %arg1: i32, %arg2: memref<32x4x128xi32, #tpu.memory_space<hbm>>, %arg3: memref<1000000x32xf32, #tpu.memory_space<hbm>>, %arg4: memref<16384x32xf32, #tpu.memory_space<hbm>>, %arg5: memref<4x128xi32, #tpu.memory_space<vmem>>, %arg6: memref<512x32xf32, #tpu.memory_space<vmem>>, %arg7: memref<!tpu.dma_semaphore, #tpu.memory_space<semaphore_mem>>) attributes {dimension_semantics = [#tpu.dimension_semantics<core_parallel>, #tpu.dimension_semantics<subcore_parallel>], iteration_bounds = array<i64: 2, 16>, scalar_prefetch = 0 : i64, scratch_operands = 3 : i64, tpu.core_type = #tpu.core_type<sc_vector_subcore>, window_params = [{transform_indices = #map}, {transform_indices = #map1}, {transform_indices = #map1}]} {
    %mul3A = arith.constant 2 : i32
    %mul3A_0 = arith.muli %arg1, %mul3A : i32
    %add3A = arith.addi %mul3A_0, %arg0 : i32
    "tpu.region"() ({
      %run_scoped3A = tpu.sem_alloc : memref<!tpu.dma_semaphore, #tpu.memory_space<semaphore_mem>>
      %dma_start3A_81 = arith.constant 0 : i32
      %dma_start3A_82 = arith.constant 0 : i32
      %dma_start3A_83 = tpu.memref_slice %arg2[%add3A, %dma_start3A_81, %dma_start3A_82] : memref<32x4x128xi32, #tpu.memory_space<hbm>> -> memref<1x4x128xi32, #tpu.memory_space<hbm>>
      %dma_start3A_84 = tpu.memref_squeeze %dma_start3A_83 : memref<1x4x128xi32, #tpu.memory_space<hbm>> -> memref<4x128xi32, #tpu.memory_space<hbm>>
      %dma_start3A_85 = arith.constant 0 : i32
      %dma_start3A_86 = arith.constant 0 : i32
      %dma_start3A_87 = tpu.memref_slice %arg2[%add3A, %dma_start3A_85, %dma_start3A_86] : memref<32x4x128xi32, #tpu.memory_space<hbm>> -> memref<1x4x128xi32, #tpu.memory_space<hbm>>
      %dma_start3A_88 = tpu.memref_squeeze %dma_start3A_87 : memref<1x4x128xi32, #tpu.memory_space<hbm>> -> memref<4x128xi32, #tpu.memory_space<hbm>>
      tpu.enqueue_dma source(%dma_start3A_88 : memref<4x128xi32, #tpu.memory_space<hbm>>) target(%arg5 : memref<4x128xi32, #tpu.memory_space<vmem>>) target_semaphore(%run_scoped3A : memref<!tpu.dma_semaphore, #tpu.memory_space<semaphore_mem>>)
      %dma_wait3A_89 = arith.constant 0 : i32
      %dma_wait3A_90 = arith.constant 0 : i32
      %dma_wait3A_91 = tpu.memref_slice %arg2[%add3A, %dma_wait3A_89, %dma_wait3A_90] : memref<32x4x128xi32, #tpu.memory_space<hbm>> -> memref<1x4x128xi32, #tpu.memory_space<hbm>>
      %dma_wait3A_92 = tpu.memref_squeeze %dma_wait3A_91 : memref<1x4x128xi32, #tpu.memory_space<hbm>> -> memref<4x128xi32, #tpu.memory_space<hbm>>
      %dma_wait3A_93 = arith.constant 0 : i32
      %dma_wait3A_94 = arith.constant 0 : i32
      %dma_wait3A_95 = tpu.memref_slice %arg2[%add3A, %dma_wait3A_93, %dma_wait3A_94] : memref<32x4x128xi32, #tpu.memory_space<hbm>> -> memref<1x4x128xi32, #tpu.memory_space<hbm>>
      %dma_wait3A_96 = tpu.memref_squeeze %dma_wait3A_95 : memref<1x4x128xi32, #tpu.memory_space<hbm>> -> memref<4x128xi32, #tpu.memory_space<hbm>>
      tpu.wait_dma2 semaphore(%run_scoped3A : memref<!tpu.dma_semaphore, #tpu.memory_space<semaphore_mem>>) src(%dma_wait3A_96 : memref<4x128xi32, #tpu.memory_space<hbm>>) dst(%arg5 : memref<4x128xi32, #tpu.memory_space<vmem>>)
      tpu.yield
    }) : () -> ()
    %dma_start3A = arith.constant 0 : i32
    %dma_start3A_1 = arith.constant 0 : i32
    %dma_start3A_2 = arith.constant 0 : i32
    %dma_start3A_3 = tpu.memref_slice %arg6[%dma_start3A_1, %dma_start3A_2] : memref<512x32xf32, #tpu.memory_space<vmem>> -> memref<128x32xf32, #tpu.memory_space<vmem>>
    %dma_start3A_4 = arith.constant 0 : i32
    %dma_start3A_5 = tpu.memref_slice %arg5[%dma_start3A, %dma_start3A_4] : memref<4x128xi32, #tpu.memory_space<vmem>> -> memref<1x128xi32, #tpu.memory_space<vmem>>
    %dma_start3A_6 = tpu.memref_squeeze %dma_start3A_5 : memref<1x128xi32, #tpu.memory_space<vmem>> -> memref<128xi32, #tpu.memory_space<vmem>>
    %dma_start3A_7 = arith.constant 0 : i32
    %dma_start3A_8 = arith.constant 0 : i32
    %dma_start3A_9 = tpu.memref_slice %arg3[%dma_start3A_7, %dma_start3A_8] : memref<1000000x32xf32, #tpu.memory_space<hbm>> -> memref<1000000x32xf32, #tpu.memory_space<hbm>>
    tpu.enqueue_indirect_dma source(%dma_start3A_9 : memref<1000000x32xf32, #tpu.memory_space<hbm>>) target(%dma_start3A_3 : memref<128x32xf32, #tpu.memory_space<vmem>>) offsets(%dma_start3A_6 : memref<128xi32, #tpu.memory_space<vmem>>) semaphore(%arg7 : memref<!tpu.dma_semaphore, #tpu.memory_space<semaphore_mem>>)
    %dma_wait3A = arith.constant 0 : i32
    %dma_wait3A_10 = arith.constant 0 : i32
    %dma_wait3A_11 = arith.constant 0 : i32
    %dma_wait3A_12 = tpu.memref_slice %arg6[%dma_wait3A_10, %dma_wait3A_11] : memref<512x32xf32, #tpu.memory_space<vmem>> -> memref<128x32xf32, #tpu.memory_space<vmem>>
    %dma_wait3A_13 = arith.constant 0 : i32
    %dma_wait3A_14 = tpu.memref_slice %arg5[%dma_wait3A, %dma_wait3A_13] : memref<4x128xi32, #tpu.memory_space<vmem>> -> memref<1x128xi32, #tpu.memory_space<vmem>>
    %dma_wait3A_15 = tpu.memref_squeeze %dma_wait3A_14 : memref<1x128xi32, #tpu.memory_space<vmem>> -> memref<128xi32, #tpu.memory_space<vmem>>
    %dma_wait3A_16 = arith.constant 0 : i32
    %dma_wait3A_17 = arith.constant 0 : i32
    %dma_wait3A_18 = tpu.memref_slice %arg3[%dma_wait3A_16, %dma_wait3A_17] : memref<1000000x32xf32, #tpu.memory_space<hbm>> -> memref<1000000x32xf32, #tpu.memory_space<hbm>>
    tpu.wait_indirect_dma semaphore(%arg7 : memref<!tpu.dma_semaphore, #tpu.memory_space<semaphore_mem>>) src(%dma_wait3A_18 : memref<1000000x32xf32, #tpu.memory_space<hbm>>) dst(%dma_wait3A_12 : memref<128x32xf32, #tpu.memory_space<vmem>>)
    %dma_start3A_19 = arith.constant 1 : i32
    %dma_start3A_20 = arith.constant 128 : i32
    %dma_start3A_21 = arith.constant 0 : i32
    %dma_start3A_22 = tpu.memref_slice %arg6[%dma_start3A_20, %dma_start3A_21] : memref<512x32xf32, #tpu.memory_space<vmem>> -> memref<128x32xf32, #tpu.memory_space<vmem>>
    %dma_start3A_23 = arith.constant 0 : i32
    %dma_start3A_24 = tpu.memref_slice %arg5[%dma_start3A_19, %dma_start3A_23] : memref<4x128xi32, #tpu.memory_space<vmem>> -> memref<1x128xi32, #tpu.memory_space<vmem>>
    %dma_start3A_25 = tpu.memref_squeeze %dma_start3A_24 : memref<1x128xi32, #tpu.memory_space<vmem>> -> memref<128xi32, #tpu.memory_space<vmem>>
    %dma_start3A_26 = arith.constant 0 : i32
    %dma_start3A_27 = arith.constant 0 : i32
    %dma_start3A_28 = tpu.memref_slice %arg3[%dma_start3A_26, %dma_start3A_27] : memref<1000000x32xf32, #tpu.memory_space<hbm>> -> memref<1000000x32xf32, #tpu.memory_space<hbm>>
    tpu.enqueue_indirect_dma source(%dma_start3A_28 : memref<1000000x32xf32, #tpu.memory_space<hbm>>) target(%dma_start3A_22 : memref<128x32xf32, #tpu.memory_space<vmem>>) offsets(%dma_start3A_25 : memref<128xi32, #tpu.memory_space<vmem>>) semaphore(%arg7 : memref<!tpu.dma_semaphore, #tpu.memory_space<semaphore_mem>>)
    %dma_wait3A_29 = arith.constant 1 : i32
    %dma_wait3A_30 = arith.constant 128 : i32
    %dma_wait3A_31 = arith.constant 0 : i32
    %dma_wait3A_32 = tpu.memref_slice %arg6[%dma_wait3A_30, %dma_wait3A_31] : memref<512x32xf32, #tpu.memory_space<vmem>> -> memref<128x32xf32, #tpu.memory_space<vmem>>
    %dma_wait3A_33 = arith.constant 0 : i32
    %dma_wait3A_34 = tpu.memref_slice %arg5[%dma_wait3A_29, %dma_wait3A_33] : memref<4x128xi32, #tpu.memory_space<vmem>> -> memref<1x128xi32, #tpu.memory_space<vmem>>
    %dma_wait3A_35 = tpu.memref_squeeze %dma_wait3A_34 : memref<1x128xi32, #tpu.memory_space<vmem>> -> memref<128xi32, #tpu.memory_space<vmem>>
    %dma_wait3A_36 = arith.constant 0 : i32
    %dma_wait3A_37 = arith.constant 0 : i32
    %dma_wait3A_38 = tpu.memref_slice %arg3[%dma_wait3A_36, %dma_wait3A_37] : memref<1000000x32xf32, #tpu.memory_space<hbm>> -> memref<1000000x32xf32, #tpu.memory_space<hbm>>
    tpu.wait_indirect_dma semaphore(%arg7 : memref<!tpu.dma_semaphore, #tpu.memory_space<semaphore_mem>>) src(%dma_wait3A_38 : memref<1000000x32xf32, #tpu.memory_space<hbm>>) dst(%dma_wait3A_32 : memref<128x32xf32, #tpu.memory_space<vmem>>)
    %dma_start3A_39 = arith.constant 2 : i32
    %dma_start3A_40 = arith.constant 256 : i32
    %dma_start3A_41 = arith.constant 0 : i32
    %dma_start3A_42 = tpu.memref_slice %arg6[%dma_start3A_40, %dma_start3A_41] : memref<512x32xf32, #tpu.memory_space<vmem>> -> memref<128x32xf32, #tpu.memory_space<vmem>>
    %dma_start3A_43 = arith.constant 0 : i32
    %dma_start3A_44 = tpu.memref_slice %arg5[%dma_start3A_39, %dma_start3A_43] : memref<4x128xi32, #tpu.memory_space<vmem>> -> memref<1x128xi32, #tpu.memory_space<vmem>>
    %dma_start3A_45 = tpu.memref_squeeze %dma_start3A_44 : memref<1x128xi32, #tpu.memory_space<vmem>> -> memref<128xi32, #tpu.memory_space<vmem>>
    %dma_start3A_46 = arith.constant 0 : i32
    %dma_start3A_47 = arith.constant 0 : i32
    %dma_start3A_48 = tpu.memref_slice %arg3[%dma_start3A_46, %dma_start3A_47] : memref<1000000x32xf32, #tpu.memory_space<hbm>> -> memref<1000000x32xf32, #tpu.memory_space<hbm>>
    tpu.enqueue_indirect_dma source(%dma_start3A_48 : memref<1000000x32xf32, #tpu.memory_space<hbm>>) target(%dma_start3A_42 : memref<128x32xf32, #tpu.memory_space<vmem>>) offsets(%dma_start3A_45 : memref<128xi32, #tpu.memory_space<vmem>>) semaphore(%arg7 : memref<!tpu.dma_semaphore, #tpu.memory_space<semaphore_mem>>)
    %dma_wait3A_49 = arith.constant 2 : i32
    %dma_wait3A_50 = arith.constant 256 : i32
    %dma_wait3A_51 = arith.constant 0 : i32
    %dma_wait3A_52 = tpu.memref_slice %arg6[%dma_wait3A_50, %dma_wait3A_51] : memref<512x32xf32, #tpu.memory_space<vmem>> -> memref<128x32xf32, #tpu.memory_space<vmem>>
    %dma_wait3A_53 = arith.constant 0 : i32
    %dma_wait3A_54 = tpu.memref_slice %arg5[%dma_wait3A_49, %dma_wait3A_53] : memref<4x128xi32, #tpu.memory_space<vmem>> -> memref<1x128xi32, #tpu.memory_space<vmem>>
    %dma_wait3A_55 = tpu.memref_squeeze %dma_wait3A_54 : memref<1x128xi32, #tpu.memory_space<vmem>> -> memref<128xi32, #tpu.memory_space<vmem>>
    %dma_wait3A_56 = arith.constant 0 : i32
    %dma_wait3A_57 = arith.constant 0 : i32
    %dma_wait3A_58 = tpu.memref_slice %arg3[%dma_wait3A_56, %dma_wait3A_57] : memref<1000000x32xf32, #tpu.memory_space<hbm>> -> memref<1000000x32xf32, #tpu.memory_space<hbm>>
    tpu.wait_indirect_dma semaphore(%arg7 : memref<!tpu.dma_semaphore, #tpu.memory_space<semaphore_mem>>) src(%dma_wait3A_58 : memref<1000000x32xf32, #tpu.memory_space<hbm>>) dst(%dma_wait3A_52 : memref<128x32xf32, #tpu.memory_space<vmem>>)
    %dma_start3A_59 = arith.constant 3 : i32
    %dma_start3A_60 = arith.constant 384 : i32
    %dma_start3A_61 = arith.constant 0 : i32
    %dma_start3A_62 = tpu.memref_slice %arg6[%dma_start3A_60, %dma_start3A_61] : memref<512x32xf32, #tpu.memory_space<vmem>> -> memref<128x32xf32, #tpu.memory_space<vmem>>
    %dma_start3A_63 = arith.constant 0 : i32
    %dma_start3A_64 = tpu.memref_slice %arg5[%dma_start3A_59, %dma_start3A_63] : memref<4x128xi32, #tpu.memory_space<vmem>> -> memref<1x128xi32, #tpu.memory_space<vmem>>
    %dma_start3A_65 = tpu.memref_squeeze %dma_start3A_64 : memref<1x128xi32, #tpu.memory_space<vmem>> -> memref<128xi32, #tpu.memory_space<vmem>>
    %dma_start3A_66 = arith.constant 0 : i32
    %dma_start3A_67 = arith.constant 0 : i32
    %dma_start3A_68 = tpu.memref_slice %arg3[%dma_start3A_66, %dma_start3A_67] : memref<1000000x32xf32, #tpu.memory_space<hbm>> -> memref<1000000x32xf32, #tpu.memory_space<hbm>>
    tpu.enqueue_indirect_dma source(%dma_start3A_68 : memref<1000000x32xf32, #tpu.memory_space<hbm>>) target(%dma_start3A_62 : memref<128x32xf32, #tpu.memory_space<vmem>>) offsets(%dma_start3A_65 : memref<128xi32, #tpu.memory_space<vmem>>) semaphore(%arg7 : memref<!tpu.dma_semaphore, #tpu.memory_space<semaphore_mem>>)
    %dma_wait3A_69 = arith.constant 3 : i32
    %dma_wait3A_70 = arith.constant 384 : i32
    %dma_wait3A_71 = arith.constant 0 : i32
    %dma_wait3A_72 = tpu.memref_slice %arg6[%dma_wait3A_70, %dma_wait3A_71] : memref<512x32xf32, #tpu.memory_space<vmem>> -> memref<128x32xf32, #tpu.memory_space<vmem>>
    %dma_wait3A_73 = arith.constant 0 : i32
    %dma_wait3A_74 = tpu.memref_slice %arg5[%dma_wait3A_69, %dma_wait3A_73] : memref<4x128xi32, #tpu.memory_space<vmem>> -> memref<1x128xi32, #tpu.memory_space<vmem>>
    %dma_wait3A_75 = tpu.memref_squeeze %dma_wait3A_74 : memref<1x128xi32, #tpu.memory_space<vmem>> -> memref<128xi32, #tpu.memory_space<vmem>>
    %dma_wait3A_76 = arith.constant 0 : i32
    %dma_wait3A_77 = arith.constant 0 : i32
    %dma_wait3A_78 = tpu.memref_slice %arg3[%dma_wait3A_76, %dma_wait3A_77] : memref<1000000x32xf32, #tpu.memory_space<hbm>> -> memref<1000000x32xf32, #tpu.memory_space<hbm>>
    tpu.wait_indirect_dma semaphore(%arg7 : memref<!tpu.dma_semaphore, #tpu.memory_space<semaphore_mem>>) src(%dma_wait3A_78 : memref<1000000x32xf32, #tpu.memory_space<hbm>>) dst(%dma_wait3A_72 : memref<128x32xf32, #tpu.memory_space<vmem>>)
    %mul3A_79 = arith.constant 512 : i32
    %mul3A_80 = arith.muli %add3A, %mul3A_79 : i32
    "tpu.region"() ({
      %run_scoped3A = tpu.sem_alloc : memref<!tpu.dma_semaphore, #tpu.memory_space<semaphore_mem>>
      %dma_start3A_81 = arith.constant 0 : i32
      %dma_start3A_82 = tpu.memref_slice %arg4[%mul3A_80, %dma_start3A_81] : memref<16384x32xf32, #tpu.memory_space<hbm>> -> memref<512x32xf32, #tpu.memory_space<hbm>>
      %dma_start3A_83 = arith.constant 0 : i32
      %dma_start3A_84 = tpu.memref_slice %arg4[%mul3A_80, %dma_start3A_83] : memref<16384x32xf32, #tpu.memory_space<hbm>> -> memref<512x32xf32, #tpu.memory_space<hbm>>
      tpu.enqueue_dma source(%arg6 : memref<512x32xf32, #tpu.memory_space<vmem>>) target(%dma_start3A_84 : memref<512x32xf32, #tpu.memory_space<hbm>>) target_semaphore(%run_scoped3A : memref<!tpu.dma_semaphore, #tpu.memory_space<semaphore_mem>>)
      %dma_wait3A_85 = arith.constant 0 : i32
      %dma_wait3A_86 = tpu.memref_slice %arg4[%mul3A_80, %dma_wait3A_85] : memref<16384x32xf32, #tpu.memory_space<hbm>> -> memref<512x32xf32, #tpu.memory_space<hbm>>
      %dma_wait3A_87 = arith.constant 0 : i32
      %dma_wait3A_88 = tpu.memref_slice %arg4[%mul3A_80, %dma_wait3A_87] : memref<16384x32xf32, #tpu.memory_space<hbm>> -> memref<512x32xf32, #tpu.memory_space<hbm>>
      tpu.wait_dma2 semaphore(%run_scoped3A : memref<!tpu.dma_semaphore, #tpu.memory_space<semaphore_mem>>) src(%arg6 : memref<512x32xf32, #tpu.memory_space<vmem>>) dst(%dma_wait3A_88 : memref<512x32xf32, #tpu.memory_space<hbm>>)
      tpu.yield
    }) : () -> ()
    return
  }
}

#map = affine_map<(d0, d1) -> (0, 0)>
#map1 = affine_map<(d0, d1) -> (0)>
module attributes {stable_mosaic.version = 14 : i64} {
  func.func @_dot_body(%arg0: i32, %arg1: i32, %arg2: memref<16384x32xf32, #tpu.memory_space<hbm>>, %arg3: memref<16384x32xf32, #tpu.memory_space<hbm>>, %arg4: memref<16384xf32, #tpu.memory_space<hbm>>, %arg5: memref<512x32xf32, #tpu.memory_space<vmem>>, %arg6: memref<512x32xf32, #tpu.memory_space<vmem>>, %arg7: memref<512xf32, #tpu.memory_space<vmem>>, %arg8: memref<!tpu.dma_semaphore, #tpu.memory_space<semaphore_mem>>, %arg9: memref<!tpu.dma_semaphore, #tpu.memory_space<semaphore_mem>>) attributes {dimension_semantics = [#tpu.dimension_semantics<core_parallel>, #tpu.dimension_semantics<subcore_parallel>], iteration_bounds = array<i64: 2, 16>, scalar_prefetch = 0 : i64, scratch_operands = 5 : i64, tpu.core_type = #tpu.core_type<sc_vector_subcore>, window_params = [{transform_indices = #map}, {transform_indices = #map}, {transform_indices = #map1}]} {
    %mul3A = arith.constant 2 : i32
    %mul3A_0 = arith.muli %arg1, %mul3A : i32
    %add3A = arith.addi %mul3A_0, %arg0 : i32
    %mul3A_1 = arith.constant 512 : i32
    %mul3A_2 = arith.muli %add3A, %mul3A_1 : i32
    %dma_start3A = arith.constant 0 : i32
    %dma_start3A_3 = tpu.memref_slice %arg2[%mul3A_2, %dma_start3A] : memref<16384x32xf32, #tpu.memory_space<hbm>> -> memref<512x32xf32, #tpu.memory_space<hbm>>
    %dma_start3A_4 = arith.constant 0 : i32
    %dma_start3A_5 = tpu.memref_slice %arg2[%mul3A_2, %dma_start3A_4] : memref<16384x32xf32, #tpu.memory_space<hbm>> -> memref<512x32xf32, #tpu.memory_space<hbm>>
    tpu.enqueue_dma source(%dma_start3A_5 : memref<512x32xf32, #tpu.memory_space<hbm>>) target(%arg5 : memref<512x32xf32, #tpu.memory_space<vmem>>) target_semaphore(%arg8 : memref<!tpu.dma_semaphore, #tpu.memory_space<semaphore_mem>>)
    %mul3A_6 = arith.constant 512 : i32
    %mul3A_7 = arith.muli %add3A, %mul3A_6 : i32
    %dma_start3A_8 = arith.constant 0 : i32
    %dma_start3A_9 = tpu.memref_slice %arg3[%mul3A_7, %dma_start3A_8] : memref<16384x32xf32, #tpu.memory_space<hbm>> -> memref<512x32xf32, #tpu.memory_space<hbm>>
    %dma_start3A_10 = arith.constant 0 : i32
    %dma_start3A_11 = tpu.memref_slice %arg3[%mul3A_7, %dma_start3A_10] : memref<16384x32xf32, #tpu.memory_space<hbm>> -> memref<512x32xf32, #tpu.memory_space<hbm>>
    tpu.enqueue_dma source(%dma_start3A_11 : memref<512x32xf32, #tpu.memory_space<hbm>>) target(%arg6 : memref<512x32xf32, #tpu.memory_space<vmem>>) target_semaphore(%arg9 : memref<!tpu.dma_semaphore, #tpu.memory_space<semaphore_mem>>)
    %dma_wait3A = arith.constant 0 : i32
    %dma_wait3A_12 = tpu.memref_slice %arg2[%mul3A_2, %dma_wait3A] : memref<16384x32xf32, #tpu.memory_space<hbm>> -> memref<512x32xf32, #tpu.memory_space<hbm>>
    %dma_wait3A_13 = arith.constant 0 : i32
    %dma_wait3A_14 = tpu.memref_slice %arg2[%mul3A_2, %dma_wait3A_13] : memref<16384x32xf32, #tpu.memory_space<hbm>> -> memref<512x32xf32, #tpu.memory_space<hbm>>
    tpu.wait_dma2 semaphore(%arg8 : memref<!tpu.dma_semaphore, #tpu.memory_space<semaphore_mem>>) src(%dma_wait3A_14 : memref<512x32xf32, #tpu.memory_space<hbm>>) dst(%arg5 : memref<512x32xf32, #tpu.memory_space<vmem>>)
    %dma_wait3A_15 = arith.constant 0 : i32
    %dma_wait3A_16 = tpu.memref_slice %arg3[%mul3A_7, %dma_wait3A_15] : memref<16384x32xf32, #tpu.memory_space<hbm>> -> memref<512x32xf32, #tpu.memory_space<hbm>>
    %dma_wait3A_17 = arith.constant 0 : i32
    %dma_wait3A_18 = tpu.memref_slice %arg3[%mul3A_7, %dma_wait3A_17] : memref<16384x32xf32, #tpu.memory_space<hbm>> -> memref<512x32xf32, #tpu.memory_space<hbm>>
    tpu.wait_dma2 semaphore(%arg9 : memref<!tpu.dma_semaphore, #tpu.memory_space<semaphore_mem>>) src(%dma_wait3A_18 : memref<512x32xf32, #tpu.memory_space<hbm>>) dst(%arg6 : memref<512x32xf32, #tpu.memory_space<vmem>>)
    %scan3A = arith.constant 0 : i32
    %scan3A_19 = arith.constant 32 : i32
    %scan3A_20 = arith.addi %scan3A, %scan3A_19 : i32
    %scan3A_21 = arith.constant 1 : i32
    scf.for %scan3A_25 = %scan3A to %scan3A_20 step %scan3A_21  : i32 {
      %mul3A_26 = arith.constant 16 : i32
      %mul3A_27 = arith.muli %scan3A_25, %mul3A_26 : i32
      %add3A_28 = arith.constant 0 : i32
      %add3A_29 = arith.addi %add3A_28, %mul3A_27 : i32
      %iota3A = tpu.iota {dimensions = array<i32: 0>} : vector<16xi32>
      %add3A_30 = vector.broadcast %add3A_29 : i32 to vector<16xi32>
      %add3A_31 = arith.addi %iota3A, %add3A_30 : vector<16xi32>
      %broadcast_in_dim3A = arith.constant 0 : i32
      %broadcast_in_dim3A_32 = vector.broadcast %broadcast_in_dim3A : i32 to vector<16xi32>
      %gather3A = tpu.vector_load_idx %arg5[%add3A_31, %broadcast_in_dim3A_32] : memref<512x32xf32, #tpu.memory_space<vmem>>[vector<16xi32>, vector<16xi32>], vector<16xf32>,
      %gather3A_33 = tpu.vector_load_idx %arg6[%add3A_31, %broadcast_in_dim3A_32] : memref<512x32xf32, #tpu.memory_space<vmem>>[vector<16xi32>, vector<16xi32>], vector<16xf32>,
      %mul3A_34 = arith.mulf %gather3A, %gather3A_33 : vector<16xf32>
      %broadcast_in_dim3A_35 = arith.constant 1 : i32
      %broadcast_in_dim3A_36 = vector.broadcast %broadcast_in_dim3A_35 : i32 to vector<16xi32>
      %gather3A_37 = tpu.vector_load_idx %arg5[%add3A_31, %broadcast_in_dim3A_36] : memref<512x32xf32, #tpu.memory_space<vmem>>[vector<16xi32>, vector<16xi32>], vector<16xf32>,
      %gather3A_38 = tpu.vector_load_idx %arg6[%add3A_31, %broadcast_in_dim3A_36] : memref<512x32xf32, #tpu.memory_space<vmem>>[vector<16xi32>, vector<16xi32>], vector<16xf32>,
      %mul3A_39 = arith.mulf %gather3A_37, %gather3A_38 : vector<16xf32>
      %add3A_40 = arith.addf %mul3A_34, %mul3A_39 : vector<16xf32>
      %broadcast_in_dim3A_41 = arith.constant 2 : i32
      %broadcast_in_dim3A_42 = vector.broadcast %broadcast_in_dim3A_41 : i32 to vector<16xi32>
      %gather3A_43 = tpu.vector_load_idx %arg5[%add3A_31, %broadcast_in_dim3A_42] : memref<512x32xf32, #tpu.memory_space<vmem>>[vector<16xi32>, vector<16xi32>], vector<16xf32>,
      %gather3A_44 = tpu.vector_load_idx %arg6[%add3A_31, %broadcast_in_dim3A_42] : memref<512x32xf32, #tpu.memory_space<vmem>>[vector<16xi32>, vector<16xi32>], vector<16xf32>,
      %mul3A_45 = arith.mulf %gather3A_43, %gather3A_44 : vector<16xf32>
      %add3A_46 = arith.addf %add3A_40, %mul3A_45 : vector<16xf32>
      %broadcast_in_dim3A_47 = arith.constant 3 : i32
      %broadcast_in_dim3A_48 = vector.broadcast %broadcast_in_dim3A_47 : i32 to vector<16xi32>
      %gather3A_49 = tpu.vector_load_idx %arg5[%add3A_31, %broadcast_in_dim3A_48] : memref<512x32xf32, #tpu.memory_space<vmem>>[vector<16xi32>, vector<16xi32>], vector<16xf32>,
      %gather3A_50 = tpu.vector_load_idx %arg6[%add3A_31, %broadcast_in_dim3A_48] : memref<512x32xf32, #tpu.memory_space<vmem>>[vector<16xi32>, vector<16xi32>], vector<16xf32>,
      %mul3A_51 = arith.mulf %gather3A_49, %gather3A_50 : vector<16xf32>
      %add3A_52 = arith.addf %add3A_46, %mul3A_51 : vector<16xf32>
      %broadcast_in_dim3A_53 = arith.constant 4 : i32
      %broadcast_in_dim3A_54 = vector.broadcast %broadcast_in_dim3A_53 : i32 to vector<16xi32>
      %gather3A_55 = tpu.vector_load_idx %arg5[%add3A_31, %broadcast_in_dim3A_54] : memref<512x32xf32, #tpu.memory_space<vmem>>[vector<16xi32>, vector<16xi32>], vector<16xf32>,
      %gather3A_56 = tpu.vector_load_idx %arg6[%add3A_31, %broadcast_in_dim3A_54] : memref<512x32xf32, #tpu.memory_space<vmem>>[vector<16xi32>, vector<16xi32>], vector<16xf32>,
      %mul3A_57 = arith.mulf %gather3A_55, %gather3A_56 : vector<16xf32>
      %add3A_58 = arith.addf %add3A_52, %mul3A_57 : vector<16xf32>
      %broadcast_in_dim3A_59 = arith.constant 5 : i32
      %broadcast_in_dim3A_60 = vector.broadcast %broadcast_in_dim3A_59 : i32 to vector<16xi32>
      %gather3A_61 = tpu.vector_load_idx %arg5[%add3A_31, %broadcast_in_dim3A_60] : memref<512x32xf32, #tpu.memory_space<vmem>>[vector<16xi32>, vector<16xi32>], vector<16xf32>,
      %gather3A_62 = tpu.vector_load_idx %arg6[%add3A_31, %broadcast_in_dim3A_60] : memref<512x32xf32, #tpu.memory_space<vmem>>[vector<16xi32>, vector<16xi32>], vector<16xf32>,
      %mul3A_63 = arith.mulf %gather3A_61, %gather3A_62 : vector<16xf32>
      %add3A_64 = arith.addf %add3A_58, %mul3A_63 : vector<16xf32>
      %broadcast_in_dim3A_65 = arith.constant 6 : i32
      %broadcast_in_dim3A_66 = vector.broadcast %broadcast_in_dim3A_65 : i32 to vector<16xi32>
      %gather3A_67 = tpu.vector_load_idx %arg5[%add3A_31, %broadcast_in_dim3A_66] : memref<512x32xf32, #tpu.memory_space<vmem>>[vector<16xi32>, vector<16xi32>], vector<16xf32>,
      %gather3A_68 = tpu.vector_load_idx %arg6[%add3A_31, %broadcast_in_dim3A_66] : memref<512x32xf32, #tpu.memory_space<vmem>>[vector<16xi32>, vector<16xi32>], vector<16xf32>,
      %mul3A_69 = arith.mulf %gather3A_67, %gather3A_68 : vector<16xf32>
      %add3A_70 = arith.addf %add3A_64, %mul3A_69 : vector<16xf32>
      %broadcast_in_dim3A_71 = arith.constant 7 : i32
      %broadcast_in_dim3A_72 = vector.broadcast %broadcast_in_dim3A_71 : i32 to vector<16xi32>
      %gather3A_73 = tpu.vector_load_idx %arg5[%add3A_31, %broadcast_in_dim3A_72] : memref<512x32xf32, #tpu.memory_space<vmem>>[vector<16xi32>, vector<16xi32>], vector<16xf32>,
      %gather3A_74 = tpu.vector_load_idx %arg6[%add3A_31, %broadcast_in_dim3A_72] : memref<512x32xf32, #tpu.memory_space<vmem>>[vector<16xi32>, vector<16xi32>], vector<16xf32>,
      %mul3A_75 = arith.mulf %gather3A_73, %gather3A_74 : vector<16xf32>
      %add3A_76 = arith.addf %add3A_70, %mul3A_75 : vector<16xf32>
      %broadcast_in_dim3A_77 = arith.constant 8 : i32
      %broadcast_in_dim3A_78 = vector.broadcast %broadcast_in_dim3A_77 : i32 to vector<16xi32>
      %gather3A_79 = tpu.vector_load_idx %arg5[%add3A_31, %broadcast_in_dim3A_78] : memref<512x32xf32, #tpu.memory_space<vmem>>[vector<16xi32>, vector<16xi32>], vector<16xf32>,
      %gather3A_80 = tpu.vector_load_idx %arg6[%add3A_31, %broadcast_in_dim3A_78] : memref<512x32xf32, #tpu.memory_space<vmem>>[vector<16xi32>, vector<16xi32>], vector<16xf32>,
      %mul3A_81 = arith.mulf %gather3A_79, %gather3A_80 : vector<16xf32>
      %add3A_82 = arith.addf %add3A_76, %mul3A_81 : vector<16xf32>
      %broadcast_in_dim3A_83 = arith.constant 9 : i32
      %broadcast_in_dim3A_84 = vector.broadcast %broadcast_in_dim3A_83 : i32 to vector<16xi32>
      %gather3A_85 = tpu.vector_load_idx %arg5[%add3A_31, %broadcast_in_dim3A_84] : memref<512x32xf32, #tpu.memory_space<vmem>>[vector<16xi32>, vector<16xi32>], vector<16xf32>,
      %gather3A_86 = tpu.vector_load_idx %arg6[%add3A_31, %broadcast_in_dim3A_84] : memref<512x32xf32, #tpu.memory_space<vmem>>[vector<16xi32>, vector<16xi32>], vector<16xf32>,
      %mul3A_87 = arith.mulf %gather3A_85, %gather3A_86 : vector<16xf32>
      %add3A_88 = arith.addf %add3A_82, %mul3A_87 : vector<16xf32>
      %broadcast_in_dim3A_89 = arith.constant 10 : i32
      %broadcast_in_dim3A_90 = vector.broadcast %broadcast_in_dim3A_89 : i32 to vector<16xi32>
      %gather3A_91 = tpu.vector_load_idx %arg5[%add3A_31, %broadcast_in_dim3A_90] : memref<512x32xf32, #tpu.memory_space<vmem>>[vector<16xi32>, vector<16xi32>], vector<16xf32>,
      %gather3A_92 = tpu.vector_load_idx %arg6[%add3A_31, %broadcast_in_dim3A_90] : memref<512x32xf32, #tpu.memory_space<vmem>>[vector<16xi32>, vector<16xi32>], vector<16xf32>,
      %mul3A_93 = arith.mulf %gather3A_91, %gather3A_92 : vector<16xf32>
      %add3A_94 = arith.addf %add3A_88, %mul3A_93 : vector<16xf32>
      %broadcast_in_dim3A_95 = arith.constant 11 : i32
      %broadcast_in_dim3A_96 = vector.broadcast %broadcast_in_dim3A_95 : i32 to vector<16xi32>
      %gather3A_97 = tpu.vector_load_idx %arg5[%add3A_31, %broadcast_in_dim3A_96] : memref<512x32xf32, #tpu.memory_space<vmem>>[vector<16xi32>, vector<16xi32>], vector<16xf32>,
      %gather3A_98 = tpu.vector_load_idx %arg6[%add3A_31, %broadcast_in_dim3A_96] : memref<512x32xf32, #tpu.memory_space<vmem>>[vector<16xi32>, vector<16xi32>], vector<16xf32>,
      %mul3A_99 = arith.mulf %gather3A_97, %gather3A_98 : vector<16xf32>
      %add3A_100 = arith.addf %add3A_94, %mul3A_99 : vector<16xf32>
      %broadcast_in_dim3A_101 = arith.constant 12 : i32
      %broadcast_in_dim3A_102 = vector.broadcast %broadcast_in_dim3A_101 : i32 to vector<16xi32>
      %gather3A_103 = tpu.vector_load_idx %arg5[%add3A_31, %broadcast_in_dim3A_102] : memref<512x32xf32, #tpu.memory_space<vmem>>[vector<16xi32>, vector<16xi32>], vector<16xf32>,
      %gather3A_104 = tpu.vector_load_idx %arg6[%add3A_31, %broadcast_in_dim3A_102] : memref<512x32xf32, #tpu.memory_space<vmem>>[vector<16xi32>, vector<16xi32>], vector<16xf32>,
      %mul3A_105 = arith.mulf %gather3A_103, %gather3A_104 : vector<16xf32>
      %add3A_106 = arith.addf %add3A_100, %mul3A_105 : vector<16xf32>
      %broadcast_in_dim3A_107 = arith.constant 13 : i32
      %broadcast_in_dim3A_108 = vector.broadcast %broadcast_in_dim3A_107 : i32 to vector<16xi32>
      %gather3A_109 = tpu.vector_load_idx %arg5[%add3A_31, %broadcast_in_dim3A_108] : memref<512x32xf32, #tpu.memory_space<vmem>>[vector<16xi32>, vector<16xi32>], vector<16xf32>,
      %gather3A_110 = tpu.vector_load_idx %arg6[%add3A_31, %broadcast_in_dim3A_108] : memref<512x32xf32, #tpu.memory_space<vmem>>[vector<16xi32>, vector<16xi32>], vector<16xf32>,
      %mul3A_111 = arith.mulf %gather3A_109, %gather3A_110 : vector<16xf32>
      %add3A_112 = arith.addf %add3A_106, %mul3A_111 : vector<16xf32>
      %broadcast_in_dim3A_113 = arith.constant 14 : i32
      %broadcast_in_dim3A_114 = vector.broadcast %broadcast_in_dim3A_113 : i32 to vector<16xi32>
      %gather3A_115 = tpu.vector_load_idx %arg5[%add3A_31, %broadcast_in_dim3A_114] : memref<512x32xf32, #tpu.memory_space<vmem>>[vector<16xi32>, vector<16xi32>], vector<16xf32>,
      %gather3A_116 = tpu.vector_load_idx %arg6[%add3A_31, %broadcast_in_dim3A_114] : memref<512x32xf32, #tpu.memory_space<vmem>>[vector<16xi32>, vector<16xi32>], vector<16xf32>,
      %mul3A_117 = arith.mulf %gather3A_115, %gather3A_116 : vector<16xf32>
      %add3A_118 = arith.addf %add3A_112, %mul3A_117 : vector<16xf32>
      %broadcast_in_dim3A_119 = arith.constant 15 : i32
      %broadcast_in_dim3A_120 = vector.broadcast %broadcast_in_dim3A_119 : i32 to vector<16xi32>
      %gather3A_121 = tpu.vector_load_idx %arg5[%add3A_31, %broadcast_in_dim3A_120] : memref<512x32xf32, #tpu.memory_space<vmem>>[vector<16xi32>, vector<16xi32>], vector<16xf32>,
      %gather3A_122 = tpu.vector_load_idx %arg6[%add3A_31, %broadcast_in_dim3A_120] : memref<512x32xf32, #tpu.memory_space<vmem>>[vector<16xi32>, vector<16xi32>], vector<16xf32>,
      %mul3A_123 = arith.mulf %gather3A_121, %gather3A_122 : vector<16xf32>
      %add3A_124 = arith.addf %add3A_118, %mul3A_123 : vector<16xf32>
      %broadcast_in_dim3A_125 = arith.constant 16 : i32
      %broadcast_in_dim3A_126 = vector.broadcast %broadcast_in_dim3A_125 : i32 to vector<16xi32>
      %gather3A_127 = tpu.vector_load_idx %arg5[%add3A_31, %broadcast_in_dim3A_126] : memref<512x32xf32, #tpu.memory_space<vmem>>[vector<16xi32>, vector<16xi32>], vector<16xf32>,
      %gather3A_128 = tpu.vector_load_idx %arg6[%add3A_31, %broadcast_in_dim3A_126] : memref<512x32xf32, #tpu.memory_space<vmem>>[vector<16xi32>, vector<16xi32>], vector<16xf32>,
      %mul3A_129 = arith.mulf %gather3A_127, %gather3A_128 : vector<16xf32>
      %add3A_130 = arith.addf %add3A_124, %mul3A_129 : vector<16xf32>
      %broadcast_in_dim3A_131 = arith.constant 17 : i32
      %broadcast_in_dim3A_132 = vector.broadcast %broadcast_in_dim3A_131 : i32 to vector<16xi32>
      %gather3A_133 = tpu.vector_load_idx %arg5[%add3A_31, %broadcast_in_dim3A_132] : memref<512x32xf32, #tpu.memory_space<vmem>>[vector<16xi32>, vector<16xi32>], vector<16xf32>,
      %gather3A_134 = tpu.vector_load_idx %arg6[%add3A_31, %broadcast_in_dim3A_132] : memref<512x32xf32, #tpu.memory_space<vmem>>[vector<16xi32>, vector<16xi32>], vector<16xf32>,
      %mul3A_135 = arith.mulf %gather3A_133, %gather3A_134 : vector<16xf32>
      %add3A_136 = arith.addf %add3A_130, %mul3A_135 : vector<16xf32>
      %broadcast_in_dim3A_137 = arith.constant 18 : i32
      %broadcast_in_dim3A_138 = vector.broadcast %broadcast_in_dim3A_137 : i32 to vector<16xi32>
      %gather3A_139 = tpu.vector_load_idx %arg5[%add3A_31, %broadcast_in_dim3A_138] : memref<512x32xf32, #tpu.memory_space<vmem>>[vector<16xi32>, vector<16xi32>], vector<16xf32>,
      %gather3A_140 = tpu.vector_load_idx %arg6[%add3A_31, %broadcast_in_dim3A_138] : memref<512x32xf32, #tpu.memory_space<vmem>>[vector<16xi32>, vector<16xi32>], vector<16xf32>,
      %mul3A_141 = arith.mulf %gather3A_139, %gather3A_140 : vector<16xf32>
      %add3A_142 = arith.addf %add3A_136, %mul3A_141 : vector<16xf32>
      %broadcast_in_dim3A_143 = arith.constant 19 : i32
      %broadcast_in_dim3A_144 = vector.broadcast %broadcast_in_dim3A_143 : i32 to vector<16xi32>
      %gather3A_145 = tpu.vector_load_idx %arg5[%add3A_31, %broadcast_in_dim3A_144] : memref<512x32xf32, #tpu.memory_space<vmem>>[vector<16xi32>, vector<16xi32>], vector<16xf32>,
      %gather3A_146 = tpu.vector_load_idx %arg6[%add3A_31, %broadcast_in_dim3A_144] : memref<512x32xf32, #tpu.memory_space<vmem>>[vector<16xi32>, vector<16xi32>], vector<16xf32>,
      %mul3A_147 = arith.mulf %gather3A_145, %gather3A_146 : vector<16xf32>
      %add3A_148 = arith.addf %add3A_142, %mul3A_147 : vector<16xf32>
      %broadcast_in_dim3A_149 = arith.constant 20 : i32
      %broadcast_in_dim3A_150 = vector.broadcast %broadcast_in_dim3A_149 : i32 to vector<16xi32>
      %gather3A_151 = tpu.vector_load_idx %arg5[%add3A_31, %broadcast_in_dim3A_150] : memref<512x32xf32, #tpu.memory_space<vmem>>[vector<16xi32>, vector<16xi32>], vector<16xf32>,
      %gather3A_152 = tpu.vector_load_idx %arg6[%add3A_31, %broadcast_in_dim3A_150] : memref<512x32xf32, #tpu.memory_space<vmem>>[vector<16xi32>, vector<16xi32>], vector<16xf32>,
      %mul3A_153 = arith.mulf %gather3A_151, %gather3A_152 : vector<16xf32>
      %add3A_154 = arith.addf %add3A_148, %mul3A_153 : vector<16xf32>
      %broadcast_in_dim3A_155 = arith.constant 21 : i32
      %broadcast_in_dim3A_156 = vector.broadcast %broadcast_in_dim3A_155 : i32 to vector<16xi32>
      %gather3A_157 = tpu.vector_load_idx %arg5[%add3A_31, %broadcast_in_dim3A_156] : memref<512x32xf32, #tpu.memory_space<vmem>>[vector<16xi32>, vector<16xi32>], vector<16xf32>,
      %gather3A_158 = tpu.vector_load_idx %arg6[%add3A_31, %broadcast_in_dim3A_156] : memref<512x32xf32, #tpu.memory_space<vmem>>[vector<16xi32>, vector<16xi32>], vector<16xf32>,
      %mul3A_159 = arith.mulf %gather3A_157, %gather3A_158 : vector<16xf32>
      %add3A_160 = arith.addf %add3A_154, %mul3A_159 : vector<16xf32>
      %broadcast_in_dim3A_161 = arith.constant 22 : i32
      %broadcast_in_dim3A_162 = vector.broadcast %broadcast_in_dim3A_161 : i32 to vector<16xi32>
      %gather3A_163 = tpu.vector_load_idx %arg5[%add3A_31, %broadcast_in_dim3A_162] : memref<512x32xf32, #tpu.memory_space<vmem>>[vector<16xi32>, vector<16xi32>], vector<16xf32>,
      %gather3A_164 = tpu.vector_load_idx %arg6[%add3A_31, %broadcast_in_dim3A_162] : memref<512x32xf32, #tpu.memory_space<vmem>>[vector<16xi32>, vector<16xi32>], vector<16xf32>,
      %mul3A_165 = arith.mulf %gather3A_163, %gather3A_164 : vector<16xf32>
      %add3A_166 = arith.addf %add3A_160, %mul3A_165 : vector<16xf32>
      %broadcast_in_dim3A_167 = arith.constant 23 : i32
      %broadcast_in_dim3A_168 = vector.broadcast %broadcast_in_dim3A_167 : i32 to vector<16xi32>
      %gather3A_169 = tpu.vector_load_idx %arg5[%add3A_31, %broadcast_in_dim3A_168] : memref<512x32xf32, #tpu.memory_space<vmem>>[vector<16xi32>, vector<16xi32>], vector<16xf32>,
      %gather3A_170 = tpu.vector_load_idx %arg6[%add3A_31, %broadcast_in_dim3A_168] : memref<512x32xf32, #tpu.memory_space<vmem>>[vector<16xi32>, vector<16xi32>], vector<16xf32>,
      %mul3A_171 = arith.mulf %gather3A_169, %gather3A_170 : vector<16xf32>
      %add3A_172 = arith.addf %add3A_166, %mul3A_171 : vector<16xf32>
      %broadcast_in_dim3A_173 = arith.constant 24 : i32
      %broadcast_in_dim3A_174 = vector.broadcast %broadcast_in_dim3A_173 : i32 to vector<16xi32>
      %gather3A_175 = tpu.vector_load_idx %arg5[%add3A_31, %broadcast_in_dim3A_174] : memref<512x32xf32, #tpu.memory_space<vmem>>[vector<16xi32>, vector<16xi32>], vector<16xf32>,
      %gather3A_176 = tpu.vector_load_idx %arg6[%add3A_31, %broadcast_in_dim3A_174] : memref<512x32xf32, #tpu.memory_space<vmem>>[vector<16xi32>, vector<16xi32>], vector<16xf32>,
      %mul3A_177 = arith.mulf %gather3A_175, %gather3A_176 : vector<16xf32>
      %add3A_178 = arith.addf %add3A_172, %mul3A_177 : vector<16xf32>
      %broadcast_in_dim3A_179 = arith.constant 25 : i32
      %broadcast_in_dim3A_180 = vector.broadcast %broadcast_in_dim3A_179 : i32 to vector<16xi32>
      %gather3A_181 = tpu.vector_load_idx %arg5[%add3A_31, %broadcast_in_dim3A_180] : memref<512x32xf32, #tpu.memory_space<vmem>>[vector<16xi32>, vector<16xi32>], vector<16xf32>,
      %gather3A_182 = tpu.vector_load_idx %arg6[%add3A_31, %broadcast_in_dim3A_180] : memref<512x32xf32, #tpu.memory_space<vmem>>[vector<16xi32>, vector<16xi32>], vector<16xf32>,
      %mul3A_183 = arith.mulf %gather3A_181, %gather3A_182 : vector<16xf32>
      %add3A_184 = arith.addf %add3A_178, %mul3A_183 : vector<16xf32>
      %broadcast_in_dim3A_185 = arith.constant 26 : i32
      %broadcast_in_dim3A_186 = vector.broadcast %broadcast_in_dim3A_185 : i32 to vector<16xi32>
      %gather3A_187 = tpu.vector_load_idx %arg5[%add3A_31, %broadcast_in_dim3A_186] : memref<512x32xf32, #tpu.memory_space<vmem>>[vector<16xi32>, vector<16xi32>], vector<16xf32>,
      %gather3A_188 = tpu.vector_load_idx %arg6[%add3A_31, %broadcast_in_dim3A_186] : memref<512x32xf32, #tpu.memory_space<vmem>>[vector<16xi32>, vector<16xi32>], vector<16xf32>,
      %mul3A_189 = arith.mulf %gather3A_187, %gather3A_188 : vector<16xf32>
      %add3A_190 = arith.addf %add3A_184, %mul3A_189 : vector<16xf32>
      %broadcast_in_dim3A_191 = arith.constant 27 : i32
      %broadcast_in_dim3A_192 = vector.broadcast %broadcast_in_dim3A_191 : i32 to vector<16xi32>
      %gather3A_193 = tpu.vector_load_idx %arg5[%add3A_31, %broadcast_in_dim3A_192] : memref<512x32xf32, #tpu.memory_space<vmem>>[vector<16xi32>, vector<16xi32>], vector<16xf32>,
      %gather3A_194 = tpu.vector_load_idx %arg6[%add3A_31, %broadcast_in_dim3A_192] : memref<512x32xf32, #tpu.memory_space<vmem>>[vector<16xi32>, vector<16xi32>], vector<16xf32>,
      %mul3A_195 = arith.mulf %gather3A_193, %gather3A_194 : vector<16xf32>
      %add3A_196 = arith.addf %add3A_190, %mul3A_195 : vector<16xf32>
      %broadcast_in_dim3A_197 = arith.constant 28 : i32
      %broadcast_in_dim3A_198 = vector.broadcast %broadcast_in_dim3A_197 : i32 to vector<16xi32>
      %gather3A_199 = tpu.vector_load_idx %arg5[%add3A_31, %broadcast_in_dim3A_198] : memref<512x32xf32, #tpu.memory_space<vmem>>[vector<16xi32>, vector<16xi32>], vector<16xf32>,
      %gather3A_200 = tpu.vector_load_idx %arg6[%add3A_31, %broadcast_in_dim3A_198] : memref<512x32xf32, #tpu.memory_space<vmem>>[vector<16xi32>, vector<16xi32>], vector<16xf32>,
      %mul3A_201 = arith.mulf %gather3A_199, %gather3A_200 : vector<16xf32>
      %add3A_202 = arith.addf %add3A_196, %mul3A_201 : vector<16xf32>
      %broadcast_in_dim3A_203 = arith.constant 29 : i32
      %broadcast_in_dim3A_204 = vector.broadcast %broadcast_in_dim3A_203 : i32 to vector<16xi32>
      %gather3A_205 = tpu.vector_load_idx %arg5[%add3A_31, %broadcast_in_dim3A_204] : memref<512x32xf32, #tpu.memory_space<vmem>>[vector<16xi32>, vector<16xi32>], vector<16xf32>,
      %gather3A_206 = tpu.vector_load_idx %arg6[%add3A_31, %broadcast_in_dim3A_204] : memref<512x32xf32, #tpu.memory_space<vmem>>[vector<16xi32>, vector<16xi32>], vector<16xf32>,
      %mul3A_207 = arith.mulf %gather3A_205, %gather3A_206 : vector<16xf32>
      %add3A_208 = arith.addf %add3A_202, %mul3A_207 : vector<16xf32>
      %broadcast_in_dim3A_209 = arith.constant 30 : i32
      %broadcast_in_dim3A_210 = vector.broadcast %broadcast_in_dim3A_209 : i32 to vector<16xi32>
      %gather3A_211 = tpu.vector_load_idx %arg5[%add3A_31, %broadcast_in_dim3A_210] : memref<512x32xf32, #tpu.memory_space<vmem>>[vector<16xi32>, vector<16xi32>], vector<16xf32>,
      %gather3A_212 = tpu.vector_load_idx %arg6[%add3A_31, %broadcast_in_dim3A_210] : memref<512x32xf32, #tpu.memory_space<vmem>>[vector<16xi32>, vector<16xi32>], vector<16xf32>,
      %mul3A_213 = arith.mulf %gather3A_211, %gather3A_212 : vector<16xf32>
      %add3A_214 = arith.addf %add3A_208, %mul3A_213 : vector<16xf32>
      %broadcast_in_dim3A_215 = arith.constant 31 : i32
      %broadcast_in_dim3A_216 = vector.broadcast %broadcast_in_dim3A_215 : i32 to vector<16xi32>
      %gather3A_217 = tpu.vector_load_idx %arg5[%add3A_31, %broadcast_in_dim3A_216] : memref<512x32xf32, #tpu.memory_space<vmem>>[vector<16xi32>, vector<16xi32>], vector<16xf32>,
      %gather3A_218 = tpu.vector_load_idx %arg6[%add3A_31, %broadcast_in_dim3A_216] : memref<512x32xf32, #tpu.memory_space<vmem>>[vector<16xi32>, vector<16xi32>], vector<16xf32>,
      %mul3A_219 = arith.mulf %gather3A_217, %gather3A_218 : vector<16xf32>
      %add3A_220 = arith.addf %add3A_214, %mul3A_219 : vector<16xf32>
      %swap3A = arith.index_cast %add3A_29 : i32 to index
      %swap3A_221 = tpu.vector_load %arg7[%swap3A] {strides = array<i32>} : memref<512xf32, #tpu.memory_space<vmem>>, vector<16xf32>,
      tpu.vector_store %arg7[%swap3A], %add3A_220 {strides = array<i32>} : memref<512xf32, #tpu.memory_space<vmem>>, vector<16xf32>,
    }
    %scan3A_22 = arith.constant 32 : i32
    %mul3A_23 = arith.constant 512 : i32
    %mul3A_24 = arith.muli %add3A, %mul3A_23 : i32
    "tpu.region"() ({
      %run_scoped3A = tpu.sem_alloc : memref<!tpu.dma_semaphore, #tpu.memory_space<semaphore_mem>>
      %dma_start3A_25 = tpu.memref_slice %arg4[%mul3A_24] : memref<16384xf32, #tpu.memory_space<hbm>> -> memref<512xf32, #tpu.memory_space<hbm>>
      %dma_start3A_26 = tpu.memref_slice %arg4[%mul3A_24] : memref<16384xf32, #tpu.memory_space<hbm>> -> memref<512xf32, #tpu.memory_space<hbm>>
      tpu.enqueue_dma source(%arg7 : memref<512xf32, #tpu.memory_space<vmem>>) target(%dma_start3A_26 : memref<512xf32, #tpu.memory_space<hbm>>) target_semaphore(%run_scoped3A : memref<!tpu.dma_semaphore, #tpu.memory_space<semaphore_mem>>)
      %dma_wait3A_27 = tpu.memref_slice %arg4[%mul3A_24] : memref<16384xf32, #tpu.memory_space<hbm>> -> memref<512xf32, #tpu.memory_space<hbm>>
      %dma_wait3A_28 = tpu.memref_slice %arg4[%mul3A_24] : memref<16384xf32, #tpu.memory_space<hbm>> -> memref<512xf32, #tpu.memory_space<hbm>>
      tpu.wait_dma2 semaphore(%run_scoped3A : memref<!tpu.dma_semaphore, #tpu.memory_space<semaphore_mem>>) src(%arg7 : memref<512xf32, #tpu.memory_space<vmem>>) dst(%dma_wait3A_28 : memref<512xf32, #tpu.memory_space<hbm>>)
      tpu.yield
    }) : () -> ()
    return
  }
}

</mosaic_0001>

<sc_bundles>
// kernel: _mf.11.cloned.1.call-start
scs
__scs_entry_jumppad:
0x0: {  	(pc) =	sbr.rel $0x88, $3  }
0x1: {  	(tag) =	ssettag $0x0;
	lr =	simm.s32 $0x1  }
0x2: {  	[smem:$0x3F9D] =	sst lr;
	_ =	strace $0xD0000000  }
0x3: {  	_ = 	snop  }
0x4: {  	_ = 	snop  }
0x5: {  	_ = 	snop  }
0x6: {  	_ = 	snop  }
0x7: {  	_ = 	snop  }
__scs_overlays_trampoline_lowered:
0x8: {  	[smem:$0x3FAC] =	sst s0  }
0x9: {  	[smem:$0x3FAD] =	sst s1  }
0xa: {  	[smem:$0x3FAE] =	sst s2  }
0xb: {  	[smem:$0x3FAF] =	sst s3  }
0xc: {  	[smem:$0x3FB0] =	sst s4  }
0xd: {  	[smem:$0x3FB1] =	sst s5  }
0xe: {  	[smem:$0x3FB2] =	sst s6  }
0xf: {  	[smem:$0x3FB3] =	sst s7  }
0x10: {  	[smem:$0x3FB4] =	sst s8  }
0x11: {  	[smem:$0x3FB5] =	sst s9;
	s0 =	simm.s32 @!p0 $0x0  }
0x12: {  	s1 =	sld [smem:$0x3F9B];
	s0 =	simm.s32 @p0 $0x1  }
0x13: {  	[smem:$0x3FB6] =	sst s0;
	s0 =	simm.s32 @!p1 $0x0  }
0x14: {  	s2 =	sld [smem:$0x3F9A];
	s0 =	simm.s32 @p1 $0x1  }
0x15: {  	[smem:$0x3FB7] =	sst s0;
	s0 =	simm.s32 @!p2 $0x0  }
0x16: {  	s3 =	sld [smem:$0x3FDB];
	s0 =	simm.s32 @p2 $0x1  }
0x17: {  	s4 =	simm.s32 $0x1BF5;
	[smem:$0x3FB9] =	sst s0  }
0x18: {  	s0 =	sld [smem:$0x3F9C];
	_ =	swait.ge [sflag:s4], $0x0  }
0x19: {  	s7 =	sld [smem:$0x3F9D]  }
0x1a: {  	s8 =	sadd.s32 $0xFFFFE003, lr  }
0x1b: {  	s9 =	sadd.s32 $0xFFFFFEF7, lr;
	s5 =	simm.s32 $0xFFFFFFFF;
	p2 =	slt.u32 s8, $0xFFFFF086  }
0x1c: {  	p1 =	slt.u32 s9, $0xF7A;
	s5 =	simm.s32 @!p2 $0x0  }
0x1d: {  	s5 =	simm.s32 @p1 $0x1;
	p0 =	seq.s32 s7, s2  }
0x1e: {  	s7 =	smul.u32 @!p0 $0xF7A, s2;
	p2 =	seq.s32 @!p0 s5, $0x0  }
0x1f: {  	s9 =	smul.u32 $0xF7A, s1;
	s8 =	simm.s32 @!p0 $0x1BF5;
	p2 =	por !p2, p0  }
0x20: {  	[sflag:s8] =	ssyncset.s32 @!p0 $0xFFFFF086;
	s6 =	sadd.s32 @!p0 s3, s7;
	s7 =	simm.s32 @!p0 $0x108  }
0x21: {  	s3 =	sadd.s32 s3, s9;
	s6 =	sadd.s32 @!p0 $0x88, s6;
	s7 =	simm.s32 @p2 $0x1082  }
0x22: {  	[simem:s7], [sflag:s8] =	dma.local @!p0 [hbm:s6], $0xF7A  }
0x23: {  	s9 =	sor.u32 $0xD0000000, s2;
	s6 =	simm.s32 $0x108;
	_ =	swait.ge @!p0 [sflag:s8], $0x0  }
0x24: {  	s3 =	sadd.s32 $0x88, s3;
	s6 =	simm.s32 @!p1 $0x1082;
	[sflag:s4] =	ssyncset.s32 $0xFFFFF086  }
0x25: {  	[simem:s6], [sflag:s4] =	dma.local [hbm:s3], $0xF7A  }
0x26: {  	[smem:$0x3F9D] =	sst s1;
	(tag) =	ssettag s2;
	_ =	strace s9  }
0x27: {  	s1 =	sld [smem:$0x3FAD]  }
0x28: {  	s2 =	sld [smem:$0x3FAE]  }
0x29: {  	s4 =	sld [smem:$0x3FB0]  }
0x2a: {  	p0 =	seq.s32 s5, $0x0;
	s5 =	sld [smem:$0x3FB1]  }
0x2b: {  	s6 =	sld [smem:$0x3FB2]  }
0x2c: {  	s7 =	sld [smem:$0x3FB3]  }
0x2d: {  	s3 =	simm.s32 $0x108;
	s8 =	sld [smem:$0x3FB4]  }
0x2e: {  	s3 =	simm.s32 @!p0 $0x1082;
	s9 =	sld [smem:$0x3FB5]  }
0x2f: {  	lr =	sadd.s32 s0, s3;
	s0 =	sld [smem:$0x3FAC]  }
0x30: {  	s3 =	sld [smem:$0x3FAF]  }
0x31: {  	[smem:$0x3FB8] =	sst s10  }
0x32: {  	s10 =	sld [smem:$0x3FB6];
	_ =	sdelay $0x3  }
0x33: {  	p0 =	seq.s32 s10, $0x1;
	s10 =	sld [smem:$0x3FB8];
	_ =	sdelay $0x3  }
0x34: {  	[smem:$0x3FB8] =	sst s10  }
0x35: {  	s10 =	sld [smem:$0x3FB7];
	_ =	sdelay $0x3  }
0x36: {  	p1 =	seq.s32 s10, $0x1;
	s10 =	sld [smem:$0x3FB8];
	_ =	sdelay $0x3  }
0x37: {  	[smem:$0x3FB8] =	sst s10  }
0x38: {  	s10 =	sld [smem:$0x3FB9]  }
0x39: {  	_ = 	snop;
	(pc) =	sbr.ind lr, $3  }
0x3a: {  	_ = 	snop  }
0x3b: {  	_ = 	snop  }
0x3c: {  	p2 =	seq.s32 s10, $0x1;
	s10 =	sld [smem:$0x3FB8]  }
0x3d: {  	_ =	shalt  }
0x3e: {  	_ =	shalt  }
0x3f: {  	_ =	shalt  }
0x40: {  	_ =	shalt  }
0x41: {  	_ =	shalt  }
0x42: {  	_ =	shalt  }
0x43: {  	_ =	shalt  }
0x44: {  	_ =	shalt  }
0x45: {  	_ =	shalt  }
0x46: {  	_ =	shalt  }
0x47: {  	_ =	shalt  }
0x48: {  	_ =	shalt  }
0x49: {  	_ =	shalt  }
0x4a: {  	_ =	shalt  }
0x4b: {  	_ =	shalt  }
0x4c: {  	_ =	shalt  }
0x4d: {  	_ =	shalt  }
0x4e: {  	_ =	shalt  }
0x4f: {  	_ =	shalt  }
0x50: {  	_ =	shalt  }
0x51: {  	_ =	shalt  }
0x52: {  	_ =	shalt  }
0x53: {  	_ =	shalt  }
0x54: {  	_ =	shalt  }
0x55: {  	_ =	shalt  }
0x56: {  	_ =	shalt  }
0x57: {  	_ =	shalt  }
0x58: {  	_ =	shalt  }
0x59: {  	_ =	shalt  }
0x5a: {  	_ =	shalt  }
0x5b: {  	_ =	shalt  }
0x5c: {  	_ =	shalt  }
0x5d: {  	_ =	shalt  }
0x5e: {  	_ =	shalt  }
0x5f: {  	_ =	shalt  }
0x60: {  	_ =	shalt  }
0x61: {  	_ =	shalt  }
0x62: {  	_ =	shalt  }
0x63: {  	_ =	shalt  }
0x64: {  	_ =	shalt  }
0x65: {  	_ =	shalt  }
0x66: {  	_ =	shalt  }
0x67: {  	_ =	shalt  }
0x68: {  	_ =	shalt  }
0x69: {  	_ =	shalt  }
0x6a: {  	_ =	shalt  }
0x6b: {  	_ =	shalt  }
0x6c: {  	_ =	shalt  }
0x6d: {  	_ =	shalt  }
0x6e: {  	_ =	shalt  }
0x6f: {  	_ =	shalt  }
0x70: {  	_ =	shalt  }
0x71: {  	_ =	shalt  }
0x72: {  	_ =	shalt  }
0x73: {  	_ =	shalt  }
0x74: {  	_ =	shalt  }
0x75: {  	_ =	shalt  }
0x76: {  	_ =	shalt  }
0x77: {  	_ =	shalt  }
0x78: {  	_ =	shalt  }
0x79: {  	_ =	shalt  }
0x7a: {  	_ =	shalt  }
0x7b: {  	_ =	shalt  }
0x7c: {  	_ =	shalt  }
0x7d: {  	_ =	shalt  }
0x7e: {  	_ =	shalt  }
0x7f: {  	_ =	shalt  }
0x80: {  	_ =	shalt  }
0x81: {  	_ =	shalt  }
0x82: {  	_ =	shalt  }
0x83: {  	_ =	shalt  }
0x84: {  	_ =	shalt  }
0x85: {  	_ =	shalt  }
0x86: {  	_ =	shalt  }
0x87: {  	_ =	shalt  }
.Lfunc_end0:
.L_simem_size_0:
called_computation.2_lowered:
.L_overlay_start_0:
0x88: {  	s2 =	sld [smem:$0x3FD9]  }
0x89: {  	s3 =	sld [smem:$0x3FFE];
	_ =	sdelay $0x1  }
0x8a: {  	s1 =	srdreg.scid  }
0x8b: {  	s0 =	sand.u32 $0x1, s1  }
0x8c: {  	s17 =	sshll.u32 s0, $0xA;
	s2 =	sadd.s32 s3, s2  }
0x8d: {  	s2 =	sadd.s32 s2, s17  }
0x8e: {  	[smem:$0x3FC4] =	sst s2  }
0x8f: {  	_ = 	snop  }
0x90: {  	s2 =	sld [smem:$0x3FD0];
	(tm) =	ssettm $0x1  }
0x91: {  	s18 =	sld [smem:$0x3FFB];
	_ =	sdelay $0x3  }
0x92: {  	_ =	strace s18  }
0x93: {  	s3 =	sld [smem:$0x3FFC];
	_ =	sdelay $0x3  }
0x94: {  	_ =	strace s3  }
0x95: {  	s3 =	sld [smem:$0x3FFD];
	_ =	sdelay $0x3  }
0x96: {  	_ =	strace s3  }
0x97: {  	_ =	strace $0x8FFFFFFF  }
0x98: {  	s19 =	sld [smem:$0x3FDB];
	_ =	sdelay $0x1  }
0x99: {  	s4 =	simm.s32 $_scs_section_size  }
0x9a: {  	s5 =	simm.s32 $_size__tile_overlayer_lowered;
	s6 =	simm.s32 $_tile_overlayer_lowered  }
0x9b: {  	s22 =	simm.s32 $0x1BFF;
	s21 =	sshll.u32 s6, $0x1;
	s3 =	sadd.s32 s4, s19  }
0x9c: {  	s7 =	simm.s32 $0x0;
	s20 =	sshll.u32 s5, $0x1;
	s5 =	sadd.s32 s21, s3  }
0x9d: {  	[timem:s7], [sflag:s22] =	dma.local [hbm:s5], s20  }
0x9e: {  	_ =	swait.ge [sflag:s22], s20  }
0x9f: {  	s4 =	ssub.s32 $0x0, s20;
	[sflag:s22] =	ssyncset.done $0x0  }
0xa0: {  	[sflag:s22] =	ssyncadd.s32 s4;
	_ =	sdelay $0x1  }
0xa1: {  	s23 =	simm.s32 $0x1B8B  }
0xa2: {  	_ =	swait.ge [sflag:s23], $0x1  }
0xa3: {  	[sflag:s23] =	ssyncset.done $0x0  }
0xa4: {  	s25 =	simm.s32 $0x1B8E;
	s24 =	sld [smem:$0x3FFE];
	[sflag:s23] =	ssyncadd.s32 $0xFFFFFFFF  }
0xa5: {  	s26 =	simm.s32 $execute0_lowered;
	[smem:$0x3FD2] =	sst s25  }
0xa6: {  	s5 =	sshll.u32 s26, $0x1;
	_ =	strace $0x8000004C;
	[dreg:$0x1] =	wrdreg $0xFFFFFFFF  }
0xa7: {  	s28 =	simm.s32 $_size_execute0_lowered;
	s3 =	sadd.s32 s3, s5;
	[dreg:$0x0] =	wrdreg $0x0  }
0xa8: {  	s5 =	sshll.u32 s28, $0x1;
	[dreg:$0x2] =	wrdreg s3  }
0xa9: {  	[dreg:$0x3] =	wrdreg s5  }
0xaa: {  	[dreg:$0x4] =	wrdreg $0xC0  }
0xab: {  	_ =	task [dreg:s7], $0x5FFFF  }
0xac: {  	[dreg:$0x1] =	wrdreg $0xFFFFFFFF  }
0xad: {  	[dreg:$0x0] =	wrdreg $0x60  }
0xae: {  	[dreg:$0x2] =	wrdreg s24  }
0xaf: {  	[dreg:$0x3] =	wrdreg s2  }
0xb0: {  	[dreg:$0x4] =	wrdreg $0x9  }
0xb1: {  	_ =	task.clear_ibuf [dreg:s7], $0x5FFFF;
	_ =	strace $0x9000004C  }
0xb2: {  	s29 =	simm.s32 $0x9;
	_ =	strace $0x8000004E  }
0xb3: {  	_ =	swait.ge [sflag:s29], $0x1  }
0xb4: {  	[sflag:s29] =	ssyncadd.s32 $0xFFFFFFFF  }
0xb5: {  	_ =	strace $0x9000004E  }
0xb6: {  	_ =	sfence  }
0xb7: {  	s30 =	sld [smem:$0x0];
	_ =	sdelay $0x2  }
0xb8: {  	s31 =	sshll.u32 s1, $0xD;
	s1 =	sshrl.u32 s1, $0x2  }
0xb9: {  	s3 =	sand.u32 $0x4000, s31;
	s1 =	sadd.s32 s1, s30  }
0xba: {  	s0 =	sor.u32 s3, s0;
	s1 =	sshll.u32 s1, $0x11  }
0xbb: {  	s0 =	sor.u32 s1, s0  }
0xbc: {  	s0 =	sadd.s32 $0x8F2B, s0  }
0xbd: {  	[sflag:s0] =	ssyncadd.remote.s32 $0x1  }
0xbe: {  	_ =	sfence.sel $0xFFFF  }
0xbf: {  	[dreg:$0x0] =	wrdreg $0xFFFFFFFF;
	(pc) =	sbr.abs _section_cstart, $3  }
0xc0: {  	[dreg:$0x1] =	wrdreg $0xFFFFFFFF  }
0xc1: {  	_ =	task.clear_ibuf [dreg:s7], $0x2FFFF;
	_ =	strace $0x9FFFFFFF  }
0xc2: {  	(tm) =	ssettm $0x7FFFFFFF  }
0xc3: {  	_ =	shalt  }
tec
execute0_lowered:
.L_overlay_start_1:
0x0: {  	(tag) =	ssettag $0x1  }
0x1: {  	s1 =	srdreg.scid;
	s3 =	rddreg [dreg:$0x0]  }
0x2: {  	s0 =	stileid.u32;
	s5 =	rddreg [dreg:$0x1]  }
0x3: {  	s2 =	simm.s32 $0x0;
	s9 =	simm.s32 $0x2;
	s10 =	simm.s32 $0x8000  }
0x4: {  	s11 =	simm.s32 $0x3;
	s12 =	simm.s32 $0x0;
	s4 =	sand.u32 $0x1, s1  }
0x5: {  	s6 =	sshll.u32 s0, $0xA;
	s1 =	rddreg [dreg:$0x2];
	s7 =	sshll.u32 s4, $0x9  }
0x6: {  	[smem:$0x7FF] =	sst s2;
	s4 =	ssub.s32 $0x2, s4;
	s6 =	sor.u32 s7, s6  }
0x7: {  	_ =	strace $0x8000004D;
	s31 =	sshrl.u32 s4, $0x1;
	s7 =	sshll.u32 s6, $0x2  }
0x8: {  	s8 =	ssub.s32 s4, s31;
	s6 =	sshrl.u32 s6, $0x3;
	s7 =	sadd.s32 s7, s3  }
0x9: {  	v0 =	vlaneseq.u32;
	s5 =	sadd.s32 s5, s6;
	s6 =	smax.u32 s8, $0x1;
	s8 =	simm.s32 $0x1  }
0xa: {  	v0 =	vmul.u32 $0x20, v0;
	s3 =	sadd.s32 $0xC00, s7;
	s4 =	sadd.s32 $0x3E1600, s7;
	s7 =	simm.s32 $0x4000  }
.LBB2_1:
0xb: {  	[tilespmem:s2], [sflag:$0x1] =	stream.linear.gather [hbm4b:s3+s2], $0x4000, $0x38;
	[tilespmem:$0x8200] =	vst v63  }
0xc: {  	_ = 	snop  }
0xd: {  	v1 =	vmov s2;
	[tilespmem:s7], [sflag:$0x2] =	stream.linear.gather [hbm4b:s4+s2], $0x4000, $0x38;
	[tilespmem:$0x8200] =	vst v63  }
0xe: {  	v1 =	vshll.u32 v1, $0x5;
	_ =	swait.ge [sflag:s8], $0x4000  }
0xf: {  	v1 =	vor.u32 v0, v1;
	[sflag:s8] =	ssyncset.done $0x0  }
0x10: {  	[sflag:s8] =	ssyncadd.s32 $0xFFFFC000  }
0x11: {  	v2 =	vor.u32 $0x1, v1;
	_ =	swait.ge [sflag:s9], $0x4000  }
0x12: {  	[sflag:s9] =	ssyncset.done $0x0  }
0x13: {  	v3 =	vor.u32 $0x2, v1;
	[sflag:s9] =	ssyncadd.s32 $0xFFFFC000  }
0x14: {  	v4 =	vld.idx.msk [tilespmem:v1+s7+$0x0], $0xffff  }
0x15: {  	v6 =	vor.u32 $0x3, v1;
	v5 =	vld.idx.msk [tilespmem:v1+s2+$0x0], $0xffff  }
0x16: {  	v7 =	vld.idx.msk [tilespmem:v2+s2+$0x0], $0xffff  }
0x17: {  	v8 =	vor.u32 $0x4, v1;
	v2 =	vld.idx.msk [tilespmem:v2+s7+$0x0], $0xffff  }
0x18: {  	v9 =	vld.idx.msk [tilespmem:v3+s2+$0x0], $0xffff  }
0x19: {  	v10 =	vor.u32 $0x5, v1;
	v3 =	vld.idx.msk [tilespmem:v3+s7+$0x0], $0xffff  }
0x1a: {  	v11 =	vld.idx.msk [tilespmem:v6+s2+$0x0], $0xffff  }
0x1b: {  	v12 =	vor.u32 $0x6, v1;
	v6 =	vld.idx.msk [tilespmem:v6+s7+$0x0], $0xffff  }
0x1c: {  	v13 =	vld.idx.msk [tilespmem:v8+s2+$0x0], $0xffff;
	v4 =	vmul.f32 v4, v5;
	v2 =	vmul.f32 v2, v7  }
0x1d: {  	v32 =	vor.u32 $0x7, v1;
	v5 =	vld.idx.msk [tilespmem:v8+s7+$0x0], $0xffff  }
0x1e: {  	v33 =	vld.idx.msk [tilespmem:v10+s2+$0x0], $0xffff;
	v3 =	vmul.f32 v3, v9;
	v2 =	vadd.f32 v2, v4  }
0x1f: {  	v34 =	vor.u32 $0x8, v1;
	v4 =	vld.idx.msk [tilespmem:v10+s7+$0x0], $0xffff  }
0x20: {  	v35 =	vld.idx.msk [tilespmem:v12+s2+$0x0], $0xffff;
	v2 =	vadd.f32 v3, v2;
	v3 =	vmul.f32 v6, v11  }
0x21: {  	v37 =	vor.u32 $0x9, v1;
	v36 =	vld.idx.msk [tilespmem:v12+s7+$0x0], $0xffff  }
0x22: {  	v38 =	vld.idx.msk [tilespmem:v32+s2+$0x0], $0xffff;
	v2 =	vadd.f32 v3, v2;
	v3 =	vmul.f32 v5, v13  }
0x23: {  	v39 =	vor.u32 $0xA, v1;
	v5 =	vld.idx.msk [tilespmem:v32+s7+$0x0], $0xffff  }
0x24: {  	v40 =	vld.idx.msk [tilespmem:v34+s2+$0x0], $0xffff;
	v2 =	vadd.f32 v3, v2;
	v3 =	vmul.f32 v4, v33  }
0x25: {  	v41 =	vor.u32 $0xB, v1;
	v4 =	vld.idx.msk [tilespmem:v34+s7+$0x0], $0xffff  }
0x26: {  	v42 =	vld.idx.msk [tilespmem:v37+s2+$0x0], $0xffff;
	v2 =	vadd.f32 v3, v2;
	v3 =	vmul.f32 v36, v35  }
0x27: {  	v44 =	vor.u32 $0xC, v1;
	v43 =	vld.idx.msk [tilespmem:v37+s7+$0x0], $0xffff  }
0x28: {  	v45 =	vld.idx.msk [tilespmem:v39+s2+$0x0], $0xffff;
	v2 =	vadd.f32 v3, v2;
	v3 =	vmul.f32 v5, v38  }
0x29: {  	v46 =	vor.u32 $0xD, v1;
	v5 =	vld.idx.msk [tilespmem:v39+s7+$0x0], $0xffff  }
0x2a: {  	v47 =	vld.idx.msk [tilespmem:v41+s2+$0x0], $0xffff;
	v2 =	vadd.f32 v3, v2;
	v3 =	vmul.f32 v4, v40  }
0x2b: {  	v48 =	vor.u32 $0xE, v1;
	v4 =	vld.idx.msk [tilespmem:v41+s7+$0x0], $0xffff  }
0x2c: {  	v49 =	vld.idx.msk [tilespmem:v44+s2+$0x0], $0xffff;
	v2 =	vadd.f32 v3, v2;
	v3 =	vmul.f32 v43, v42  }
0x2d: {  	v51 =	vor.u32 $0xF, v1;
	v50 =	vld.idx.msk [tilespmem:v44+s7+$0x0], $0xffff  }
0x2e: {  	v52 =	vld.idx.msk [tilespmem:v46+s2+$0x0], $0xffff;
	v2 =	vadd.f32 v3, v2;
	v3 =	vmul.f32 v5, v45  }
0x2f: {  	v53 =	vor.u32 $0x10, v1;
	v5 =	vld.idx.msk [tilespmem:v46+s7+$0x0], $0xffff  }
0x30: {  	v54 =	vld.idx.msk [tilespmem:v48+s2+$0x0], $0xffff;
	v2 =	vadd.f32 v3, v2;
	v3 =	vmul.f32 v4, v47  }
0x31: {  	v55 =	vor.u32 $0x11, v1;
	v4 =	vld.idx.msk [tilespmem:v48+s7+$0x0], $0xffff  }
0x32: {  	v56 =	vld.idx.msk [tilespmem:v51+s2+$0x0], $0xffff;
	v2 =	vadd.f32 v3, v2;
	v3 =	vmul.f32 v50, v49  }
0x33: {  	v58 =	vor.u32 $0x12, v1;
	v57 =	vld.idx.msk [tilespmem:v51+s7+$0x0], $0xffff  }
0x34: {  	v59 =	vld.idx.msk [tilespmem:v53+s2+$0x0], $0xffff;
	v2 =	vadd.f32 v3, v2;
	v3 =	vmul.f32 v5, v52  }
0x35: {  	v60 =	vor.u32 $0x13, v1;
	v5 =	vld.idx.msk [tilespmem:v53+s7+$0x0], $0xffff  }
0x36: {  	v61 =	vld.idx.msk [tilespmem:v55+s2+$0x0], $0xffff;
	v2 =	vadd.f32 v3, v2;
	v3 =	vmul.f32 v4, v54  }
0x37: {  	v62 =	vor.u32 $0x14, v1;
	v4 =	vld.idx.msk [tilespmem:v55+s7+$0x0], $0xffff  }
0x38: {  	v63 =	vld.idx.msk [tilespmem:v58+s2+$0x0], $0xffff;
	v2 =	vadd.f32 v3, v2;
	v3 =	vmul.f32 v57, v56  }
0x39: {  	v17 =	vor.u32 $0x15, v1;
	v16 =	vld.idx.msk [tilespmem:v58+s7+$0x0], $0xffff  }
0x3a: {  	v18 =	vld.idx.msk [tilespmem:v60+s2+$0x0], $0xffff;
	v2 =	vadd.f32 v3, v2;
	v3 =	vmul.f32 v5, v59  }
0x3b: {  	v19 =	vor.u32 $0x16, v1;
	v5 =	vld.idx.msk [tilespmem:v60+s7+$0x0], $0xffff  }
0x3c: {  	v20 =	vld.idx.msk [tilespmem:v62+s2+$0x0], $0xffff;
	v2 =	vadd.f32 v3, v2;
	v3 =	vmul.f32 v4, v61  }
0x3d: {  	v21 =	vor.u32 $0x17, v1;
	v4 =	vld.idx.msk [tilespmem:v62+s7+$0x0], $0xffff  }
0x3e: {  	v22 =	vld.idx.msk [tilespmem:v17+s2+$0x0], $0xffff;
	v2 =	vadd.f32 v3, v2;
	v3 =	vmul.f32 v16, v63  }
0x3f: {  	v24 =	vor.u32 $0x18, v1;
	v23 =	vld.idx.msk [tilespmem:v17+s7+$0x0], $0xffff  }
0x40: {  	v25 =	vld.idx.msk [tilespmem:v19+s2+$0x0], $0xffff;
	v2 =	vadd.f32 v3, v2;
	v3 =	vmul.f32 v5, v18  }
0x41: {  	v26 =	vor.u32 $0x19, v1;
	v5 =	vld.idx.msk [tilespmem:v19+s7+$0x0], $0xffff  }
0x42: {  	v27 =	vld.idx.msk [tilespmem:v21+s2+$0x0], $0xffff;
	v2 =	vadd.f32 v3, v2;
	v3 =	vmul.f32 v4, v20  }
0x43: {  	v28 =	vor.u32 $0x1A, v1;
	v4 =	vld.idx.msk [tilespmem:v21+s7+$0x0], $0xffff  }
0x44: {  	v29 =	vld.idx.msk [tilespmem:v24+s2+$0x0], $0xffff;
	v2 =	vadd.f32 v3, v2;
	v3 =	vmul.f32 v23, v22  }
0x45: {  	v31 =	vor.u32 $0x1B, v1;
	v30 =	vld.idx.msk [tilespmem:v24+s7+$0x0], $0xffff  }
0x46: {  	v32 =	vld.idx.msk [tilespmem:v26+s2+$0x0], $0xffff;
	v2 =	vadd.f32 v3, v2;
	v3 =	vmul.f32 v5, v25  }
0x47: {  	v33 =	vor.u32 $0x1C, v1;
	v5 =	vld.idx.msk [tilespmem:v26+s7+$0x0], $0xffff  }
0x48: {  	v34 =	vld.idx.msk [tilespmem:v28+s2+$0x0], $0xffff;
	v2 =	vadd.f32 v3, v2;
	v3 =	vmul.f32 v4, v27  }
0x49: {  	v35 =	vor.u32 $0x1D, v1;
	v4 =	vld.idx.msk [tilespmem:v28+s7+$0x0], $0xffff  }
0x4a: {  	v37 =	vld.idx.msk [tilespmem:v31+s7+$0x0], $0xffff;
	v2 =	vadd.f32 v3, v2;
	v3 =	vmul.f32 v30, v29  }
0x4b: {  	v36 =	vld.idx.msk [tilespmem:v31+s2+$0x0], $0xffff;
	v38 =	vor.u32 $0x1E, v1  }
0x4c: {  	v39 =	vld.idx.msk [tilespmem:v33+s2+$0x0], $0xffff;
	v2 =	vadd.f32 v3, v2;
	v3 =	vmul.f32 v5, v32  }
0x4d: {  	v1 =	vor.u32 $0x1F, v1;
	v5 =	vld.idx.msk [tilespmem:v33+s7+$0x0], $0xffff  }
0x4e: {  	v40 =	vld.idx.msk [tilespmem:v35+s2+$0x0], $0xffff;
	v2 =	vadd.f32 v3, v2;
	v3 =	vmul.f32 v4, v34  }
0x4f: {  	v4 =	vld.idx.msk [tilespmem:v35+s7+$0x0], $0xffff  }
0x50: {  	v41 =	vld.idx.msk [tilespmem:v38+s2+$0x0], $0xffff;
	v2 =	vadd.f32 v3, v2;
	v3 =	vmul.f32 v37, v36  }
0x51: {  	v42 =	vld.idx.msk [tilespmem:v38+s7+$0x0], $0xffff  }
0x52: {  	v43 =	vld.idx.msk [tilespmem:v1+s2+$0x0], $0xffff;
	v2 =	vadd.f32 v3, v2;
	v3 =	vmul.f32 v5, v39  }
0x53: {  	v5 =	vld.idx.msk [tilespmem:v1+s7+$0x0], $0xffff  }
0x54: {  	v1 =	vadd.f32 v3, v2;
	v2 =	vmul.f32 v4, v40  }
0x55: {  	s13 =	simm.s32 $0x10  }
0x56: {  	v3 =	vmov s13;
	v4 =	vmul.f32 v42, v41;
	v2 =	vadd.f32 v2, v1  }
0x57: {  	v1 =	vshll.u32 v3, $0x5  }
0x58: {  	v1 =	vor.u32 v0, v1;
	v3 =	vmul.f32 v5, v43;
	v2 =	vadd.f32 v4, v2;
	_ =	sdelay $0x1  }
0x59: {  	v4 =	vor.u32 $0x1, v1;
	v2 =	vadd.f32 v3, v2;
	_ =	sdelay $0x1  }
0x5a: {  	v3 =	vor.u32 $0x2, v1;
	[tilespmem:s10+$0x0] =	vst v2  }
0x5b: {  	v2 =	vld.idx.msk [tilespmem:v1+s7+$0x0], $0xffff  }
0x5c: {  	v44 =	vor.u32 $0x3, v1;
	v5 =	vld.idx.msk [tilespmem:v1+s2+$0x0], $0xffff  }
0x5d: {  	v45 =	vld.idx.msk [tilespmem:v4+s2+$0x0], $0xffff  }
0x5e: {  	v46 =	vor.u32 $0x4, v1;
	v4 =	vld.idx.msk [tilespmem:v4+s7+$0x0], $0xffff  }
0x5f: {  	v47 =	vld.idx.msk [tilespmem:v3+s2+$0x0], $0xffff  }
0x60: {  	v48 =	vor.u32 $0x5, v1;
	v3 =	vld.idx.msk [tilespmem:v3+s7+$0x0], $0xffff  }
0x61: {  	v49 =	vld.idx.msk [tilespmem:v44+s2+$0x0], $0xffff  }
0x62: {  	v50 =	vor.u32 $0x6, v1;
	v6 =	vld.idx.msk [tilespmem:v44+s7+$0x0], $0xffff  }
0x63: {  	v51 =	vld.idx.msk [tilespmem:v46+s2+$0x0], $0xffff;
	v2 =	vmul.f32 v2, v5;
	v4 =	vmul.f32 v4, v45  }
0x64: {  	v52 =	vor.u32 $0x7, v1;
	v5 =	vld.idx.msk [tilespmem:v46+s7+$0x0], $0xffff  }
0x65: {  	v53 =	vld.idx.msk [tilespmem:v48+s2+$0x0], $0xffff;
	v2 =	vadd.f32 v4, v2;
	v3 =	vmul.f32 v3, v47  }
0x66: {  	v54 =	vor.u32 $0x8, v1;
	v4 =	vld.idx.msk [tilespmem:v48+s7+$0x0], $0xffff  }
0x67: {  	v55 =	vld.idx.msk [tilespmem:v50+s2+$0x0], $0xffff;
	v2 =	vadd.f32 v3, v2;
	v3 =	vmul.f32 v6, v49  }
0x68: {  	v57 =	vor.u32 $0x9, v1;
	v56 =	vld.idx.msk [tilespmem:v50+s7+$0x0], $0xffff  }
0x69: {  	v58 =	vld.idx.msk [tilespmem:v52+s2+$0x0], $0xffff;
	v2 =	vadd.f32 v3, v2;
	v3 =	vmul.f32 v5, v51  }
0x6a: {  	v59 =	vor.u32 $0xA, v1;
	v5 =	vld.idx.msk [tilespmem:v52+s7+$0x0], $0xffff  }
0x6b: {  	v60 =	vld.idx.msk [tilespmem:v54+s2+$0x0], $0xffff;
	v2 =	vadd.f32 v3, v2;
	v3 =	vmul.f32 v4, v53  }
0x6c: {  	v61 =	vor.u32 $0xB, v1;
	v4 =	vld.idx.msk [tilespmem:v54+s7+$0x0], $0xffff  }
0x6d: {  	v62 =	vld.idx.msk [tilespmem:v57+s2+$0x0], $0xffff;
	v2 =	vadd.f32 v3, v2;
	v3 =	vmul.f32 v56, v55  }
0x6e: {  	v16 =	vor.u32 $0xC, v1;
	v63 =	vld.idx.msk [tilespmem:v57+s7+$0x0], $0xffff  }
0x6f: {  	v17 =	vld.idx.msk [tilespmem:v59+s2+$0x0], $0xffff;
	v2 =	vadd.f32 v3, v2;
	v3 =	vmul.f32 v5, v58  }
0x70: {  	v18 =	vor.u32 $0xD, v1;
	v5 =	vld.idx.msk [tilespmem:v59+s7+$0x0], $0xffff  }
0x71: {  	v19 =	vld.idx.msk [tilespmem:v61+s2+$0x0], $0xffff;
	v2 =	vadd.f32 v3, v2;
	v3 =	vmul.f32 v4, v60  }
0x72: {  	v20 =	vor.u32 $0xE, v1;
	v4 =	vld.idx.msk [tilespmem:v61+s7+$0x0], $0xffff  }
0x73: {  	v21 =	vld.idx.msk [tilespmem:v16+s2+$0x0], $0xffff;
	v2 =	vadd.f32 v3, v2;
	v3 =	vmul.f32 v63, v62  }
0x74: {  	v23 =	vor.u32 $0xF, v1;
	v22 =	vld.idx.msk [tilespmem:v16+s7+$0x0], $0xffff  }
0x75: {  	v24 =	vld.idx.msk [tilespmem:v18+s2+$0x0], $0xffff;
	v2 =	vadd.f32 v3, v2;
	v3 =	vmul.f32 v5, v17  }
0x76: {  	v25 =	vor.u32 $0x10, v1;
	v5 =	vld.idx.msk [tilespmem:v18+s7+$0x0], $0xffff  }
0x77: {  	v26 =	vld.idx.msk [tilespmem:v20+s2+$0x0], $0xffff;
	v2 =	vadd.f32 v3, v2;
	v3 =	vmul.f32 v4, v19  }
0x78: {  	v27 =	vor.u32 $0x11, v1;
	v4 =	vld.idx.msk [tilespmem:v20+s7+$0x0], $0xffff  }
0x79: {  	v28 =	vld.idx.msk [tilespmem:v23+s2+$0x0], $0xffff;
	v2 =	vadd.f32 v3, v2;
	v3 =	vmul.f32 v22, v21  }
0x7a: {  	v30 =	vor.u32 $0x12, v1;
	v29 =	vld.idx.msk [tilespmem:v23+s7+$0x0], $0xffff  }
0x7b: {  	v31 =	vld.idx.msk [tilespmem:v25+s2+$0x0], $0xffff;
	v2 =	vadd.f32 v3, v2;
	v3 =	vmul.f32 v5, v24  }
0x7c: {  	v32 =	vor.u32 $0x13, v1;
	v5 =	vld.idx.msk [tilespmem:v25+s7+$0x0], $0xffff  }
0x7d: {  	v33 =	vld.idx.msk [tilespmem:v27+s2+$0x0], $0xffff;
	v2 =	vadd.f32 v3, v2;
	v3 =	vmul.f32 v4, v26  }
0x7e: {  	v34 =	vor.u32 $0x14, v1;
	v4 =	vld.idx.msk [tilespmem:v27+s7+$0x0], $0xffff  }
0x7f: {  	v35 =	vld.idx.msk [tilespmem:v30+s2+$0x0], $0xffff;
	v2 =	vadd.f32 v3, v2;
	v3 =	vmul.f32 v29, v28  }
0x80: {  	v37 =	vor.u32 $0x15, v1;
	v36 =	vld.idx.msk [tilespmem:v30+s7+$0x0], $0xffff  }
0x81: {  	v38 =	vld.idx.msk [tilespmem:v32+s2+$0x0], $0xffff;
	v2 =	vadd.f32 v3, v2;
	v3 =	vmul.f32 v5, v31  }
0x82: {  	v39 =	vor.u32 $0x16, v1;
	v5 =	vld.idx.msk [tilespmem:v32+s7+$0x0], $0xffff  }
0x83: {  	v40 =	vld.idx.msk [tilespmem:v34+s2+$0x0], $0xffff;
	v2 =	vadd.f32 v3, v2;
	v3 =	vmul.f32 v4, v33  }
0x84: {  	v41 =	vor.u32 $0x17, v1;
	v4 =	vld.idx.msk [tilespmem:v34+s7+$0x0], $0xffff  }
0x85: {  	v42 =	vld.idx.msk [tilespmem:v37+s2+$0x0], $0xffff;
	v2 =	vadd.f32 v3, v2;
	v3 =	vmul.f32 v36, v35  }
0x86: {  	v43 =	vld.idx.msk [tilespmem:v37+s7+$0x0], $0xffff;
	v44 =	vor.u32 $0x18, v1  }
0x87: {  	v45 =	vld.idx.msk [tilespmem:v39+s2+$0x0], $0xffff;
	v2 =	vadd.f32 v3, v2;
	v3 =	vmul.f32 v5, v38  }
0x88: {  	v46 =	vor.u32 $0x19, v1;
	v5 =	vld.idx.msk [tilespmem:v39+s7+$0x0], $0xffff  }
0x89: {  	v47 =	vld.idx.msk [tilespmem:v41+s2+$0x0], $0xffff;
	v2 =	vadd.f32 v3, v2;
	v3 =	vmul.f32 v4, v40  }
0x8a: {  	v48 =	vor.u32 $0x1A, v1;
	v4 =	vld.idx.msk [tilespmem:v41+s7+$0x0], $0xffff  }
0x8b: {  	v50 =	vld.idx.msk [tilespmem:v44+s7+$0x0], $0xffff;
	v2 =	vadd.f32 v3, v2;
	v3 =	vmul.f32 v43, v42  }
0x8c: {  	v49 =	vld.idx.msk [tilespmem:v44+s2+$0x0], $0xffff;
	v51 =	vor.u32 $0x1B, v1  }
0x8d: {  	v52 =	vld.idx.msk [tilespmem:v46+s2+$0x0], $0xffff;
	v2 =	vadd.f32 v3, v2;
	v3 =	vmul.f32 v5, v45  }
0x8e: {  	v53 =	vor.u32 $0x1C, v1;
	v5 =	vld.idx.msk [tilespmem:v46+s7+$0x0], $0xffff  }
0x8f: {  	v54 =	vld.idx.msk [tilespmem:v48+s2+$0x0], $0xffff;
	v2 =	vadd.f32 v3, v2;
	v3 =	vmul.f32 v4, v47  }
0x90: {  	v55 =	vor.u32 $0x1D, v1;
	v4 =	vld.idx.msk [tilespmem:v48+s7+$0x0], $0xffff  }
0x91: {  	v56 =	vld.idx.msk [tilespmem:v51+s2+$0x0], $0xffff;
	v2 =	vadd.f32 v3, v2;
	v3 =	vmul.f32 v50, v49  }
0x92: {  	v57 =	vld.idx.msk [tilespmem:v51+s7+$0x0], $0xffff;
	v58 =	vor.u32 $0x1E, v1  }
0x93: {  	v59 =	vld.idx.msk [tilespmem:v53+s2+$0x0], $0xffff;
	v2 =	vadd.f32 v3, v2;
	v3 =	vmul.f32 v5, v52  }
0x94: {  	v1 =	vor.u32 $0x1F, v1;
	v5 =	vld.idx.msk [tilespmem:v53+s7+$0x0], $0xffff  }
0x95: {  	v60 =	vld.idx.msk [tilespmem:v55+s2+$0x0], $0xffff;
	v2 =	vadd.f32 v3, v2;
	v3 =	vmul.f32 v4, v54  }
0x96: {  	v4 =	vld.idx.msk [tilespmem:v55+s7+$0x0], $0xffff  }
0x97: {  	v61 =	vld.idx.msk [tilespmem:v58+s2+$0x0], $0xffff;
	v2 =	vadd.f32 v3, v2;
	v3 =	vmul.f32 v57, v56  }
0x98: {  	v62 =	vld.idx.msk [tilespmem:v58+s7+$0x0], $0xffff  }
0x99: {  	v63 =	vld.idx.msk [tilespmem:v1+s2+$0x0], $0xffff;
	v2 =	vadd.f32 v3, v2;
	v3 =	vmul.f32 v5, v59  }
0x9a: {  	v5 =	vld.idx.msk [tilespmem:v1+s7+$0x0], $0xffff  }
0x9b: {  	v1 =	vadd.f32 v3, v2;
	v2 =	vmul.f32 v4, v60  }
0x9c: {  	s31 =	simm.s32 $0x20  }
0x9d: {  	v3 =	vmov s31;
	v4 =	vmul.f32 v62, v61;
	v2 =	vadd.f32 v2, v1  }
0x9e: {  	v1 =	vshll.u32 v3, $0x5  }
0x9f: {  	s14 =	simm.s32 $0x30;
	s13 =	simm.s32 $0x8000;
	v1 =	vor.u32 v0, v1;
	v3 =	vmul.f32 v5, v63;
	v2 =	vadd.f32 v4, v2  }
.LBB2_2:
0xa0: {  	p0 =	sne.s32 s14, $0x1F0  }
0xa1: {  	v4 =	vor.u32 $0x1, v1;
	v2 =	vadd.f32 v3, v2  }
0xa2: {  	s13 =	sadd.s32 $0x10, s13  }
0xa3: {  	v3 =	vor.u32 $0x2, v1;
	[tilespmem:s13+$0x0] =	vst v2  }
0xa4: {  	v2 =	vld.idx.msk [tilespmem:v1+s7+$0x0], $0xffff  }
0xa5: {  	v6 =	vor.u32 $0x3, v1;
	v5 =	vld.idx.msk [tilespmem:v1+s2+$0x0], $0xffff  }
0xa6: {  	v7 =	vld.idx.msk [tilespmem:v4+s2+$0x0], $0xffff  }
0xa7: {  	v8 =	vor.u32 $0x4, v1;
	v4 =	vld.idx.msk [tilespmem:v4+s7+$0x0], $0xffff  }
0xa8: {  	v9 =	vld.idx.msk [tilespmem:v3+s2+$0x0], $0xffff  }
0xa9: {  	v10 =	vor.u32 $0x5, v1;
	v3 =	vld.idx.msk [tilespmem:v3+s7+$0x0], $0xffff  }
0xaa: {  	v11 =	vld.idx.msk [tilespmem:v6+s2+$0x0], $0xffff  }
0xab: {  	v12 =	vor.u32 $0x6, v1;
	v6 =	vld.idx.msk [tilespmem:v6+s7+$0x0], $0xffff  }
0xac: {  	v13 =	vld.idx.msk [tilespmem:v8+s2+$0x0], $0xffff  }
0xad: {  	v2 =	vmul.f32 v2, v5;
	v4 =	vmul.f32 v4, v7;
	v7 =	vor.u32 $0x7, v1;
	v5 =	vld.idx.msk [tilespmem:v8+s7+$0x0], $0xffff  }
0xae: {  	v8 =	vld.idx.msk [tilespmem:v10+s2+$0x0], $0xffff  }
0xaf: {  	v2 =	vadd.f32 v4, v2;
	v3 =	vmul.f32 v3, v9;
	v9 =	vor.u32 $0x8, v1;
	v4 =	vld.idx.msk [tilespmem:v10+s7+$0x0], $0xffff  }
0xb0: {  	v10 =	vld.idx.msk [tilespmem:v12+s2+$0x0], $0xffff  }
0xb1: {  	v2 =	vadd.f32 v3, v2;
	v3 =	vmul.f32 v6, v11;
	v11 =	vor.u32 $0x9, v1;
	v6 =	vld.idx.msk [tilespmem:v12+s7+$0x0], $0xffff  }
0xb2: {  	v12 =	vld.idx.msk [tilespmem:v7+s2+$0x0], $0xffff  }
0xb3: {  	v2 =	vadd.f32 v3, v2;
	v3 =	vmul.f32 v5, v13;
	v5 =	vld.idx.msk [tilespmem:v7+s7+$0x0], $0xffff;
	v7 =	vor.u32 $0xA, v1  }
0xb4: {  	v13 =	vld.idx.msk [tilespmem:v9+s2+$0x0], $0xffff  }
0xb5: {  	v2 =	vadd.f32 v3, v2;
	v3 =	vmul.f32 v4, v8;
	v8 =	vor.u32 $0xB, v1;
	v4 =	vld.idx.msk [tilespmem:v9+s7+$0x0], $0xffff  }
0xb6: {  	v9 =	vld.idx.msk [tilespmem:v11+s2+$0x0], $0xffff  }
0xb7: {  	v2 =	vadd.f32 v3, v2;
	v3 =	vmul.f32 v6, v10;
	v10 =	vor.u32 $0xC, v1;
	v6 =	vld.idx.msk [tilespmem:v11+s7+$0x0], $0xffff  }
0xb8: {  	v11 =	vld.idx.msk [tilespmem:v7+s2+$0x0], $0xffff  }
0xb9: {  	v2 =	vadd.f32 v3, v2;
	v3 =	vmul.f32 v5, v12;
	v5 =	vld.idx.msk [tilespmem:v7+s7+$0x0], $0xffff;
	v7 =	vor.u32 $0xD, v1  }
0xba: {  	v12 =	vld.idx.msk [tilespmem:v8+s2+$0x0], $0xffff  }
0xbb: {  	v2 =	vadd.f32 v3, v2;
	v3 =	vmul.f32 v4, v13;
	v4 =	vld.idx.msk [tilespmem:v8+s7+$0x0], $0xffff;
	v8 =	vor.u32 $0xE, v1  }
0xbc: {  	v13 =	vld.idx.msk [tilespmem:v10+s2+$0x0], $0xffff  }
0xbd: {  	v2 =	vadd.f32 v3, v2;
	v3 =	vmul.f32 v6, v9;
	v9 =	vor.u32 $0xF, v1;
	v6 =	vld.idx.msk [tilespmem:v10+s7+$0x0], $0xffff  }
0xbe: {  	v10 =	vld.idx.msk [tilespmem:v7+s2+$0x0], $0xffff  }
0xbf: {  	v2 =	vadd.f32 v3, v2;
	v3 =	vmul.f32 v5, v11;
	v5 =	vld.idx.msk [tilespmem:v7+s7+$0x0], $0xffff;
	v7 =	vor.u32 $0x10, v1  }
0xc0: {  	v11 =	vld.idx.msk [tilespmem:v8+s2+$0x0], $0xffff  }
0xc1: {  	v2 =	vadd.f32 v3, v2;
	v3 =	vmul.f32 v4, v12;
	v4 =	vld.idx.msk [tilespmem:v8+s7+$0x0], $0xffff;
	v8 =	vor.u32 $0x11, v1  }
0xc2: {  	v12 =	vld.idx.msk [tilespmem:v9+s2+$0x0], $0xffff  }
0xc3: {  	v2 =	vadd.f32 v3, v2;
	v3 =	vmul.f32 v6, v13;
	v6 =	vld.idx.msk [tilespmem:v9+s7+$0x0], $0xffff;
	v9 =	vor.u32 $0x12, v1  }
0xc4: {  	v13 =	vld.idx.msk [tilespmem:v7+s2+$0x0], $0xffff  }
0xc5: {  	v2 =	vadd.f32 v3, v2;
	v3 =	vmul.f32 v5, v10;
	v5 =	vld.idx.msk [tilespmem:v7+s7+$0x0], $0xffff;
	v7 =	vor.u32 $0x13, v1  }
0xc6: {  	v10 =	vld.idx.msk [tilespmem:v8+s2+$0x0], $0xffff  }
0xc7: {  	v2 =	vadd.f32 v3, v2;
	v3 =	vmul.f32 v4, v11;
	v4 =	vld.idx.msk [tilespmem:v8+s7+$0x0], $0xffff;
	v8 =	vor.u32 $0x14, v1  }
0xc8: {  	v11 =	vld.idx.msk [tilespmem:v9+s2+$0x0], $0xffff  }
0xc9: {  	v2 =	vadd.f32 v3, v2;
	v3 =	vmul.f32 v6, v12;
	v6 =	vld.idx.msk [tilespmem:v9+s7+$0x0], $0xffff;
	v9 =	vor.u32 $0x15, v1  }
0xca: {  	v12 =	vld.idx.msk [tilespmem:v7+s2+$0x0], $0xffff  }
0xcb: {  	v2 =	vadd.f32 v3, v2;
	v3 =	vmul.f32 v5, v13;
	v5 =	vld.idx.msk [tilespmem:v7+s7+$0x0], $0xffff;
	v7 =	vor.u32 $0x16, v1  }
0xcc: {  	v13 =	vld.idx.msk [tilespmem:v8+s2+$0x0], $0xffff  }
0xcd: {  	v2 =	vadd.f32 v3, v2;
	v3 =	vmul.f32 v4, v10;
	v4 =	vld.idx.msk [tilespmem:v8+s7+$0x0], $0xffff;
	v8 =	vor.u32 $0x17, v1  }
0xce: {  	v10 =	vld.idx.msk [tilespmem:v9+s2+$0x0], $0xffff  }
0xcf: {  	v2 =	vadd.f32 v3, v2;
	v3 =	vmul.f32 v6, v11;
	v6 =	vld.idx.msk [tilespmem:v9+s7+$0x0], $0xffff;
	v9 =	vor.u32 $0x18, v1  }
0xd0: {  	v11 =	vld.idx.msk [tilespmem:v7+s2+$0x0], $0xffff  }
0xd1: {  	v2 =	vadd.f32 v3, v2;
	v3 =	vmul.f32 v5, v12;
	v5 =	vld.idx.msk [tilespmem:v7+s7+$0x0], $0xffff;
	v7 =	vor.u32 $0x19, v1  }
0xd2: {  	v12 =	vld.idx.msk [tilespmem:v8+s2+$0x0], $0xffff  }
0xd3: {  	v2 =	vadd.f32 v3, v2;
	v3 =	vmul.f32 v4, v13;
	v4 =	vld.idx.msk [tilespmem:v8+s7+$0x0], $0xffff;
	v8 =	vor.u32 $0x1A, v1  }
0xd4: {  	v13 =	vld.idx.msk [tilespmem:v9+s2+$0x0], $0xffff  }
0xd5: {  	v2 =	vadd.f32 v3, v2;
	v3 =	vmul.f32 v6, v10;
	v6 =	vld.idx.msk [tilespmem:v9+s7+$0x0], $0xffff;
	v9 =	vor.u32 $0x1B, v1  }
0xd6: {  	v10 =	vld.idx.msk [tilespmem:v7+s2+$0x0], $0xffff  }
0xd7: {  	v2 =	vadd.f32 v3, v2;
	v3 =	vmul.f32 v5, v11;
	v5 =	vld.idx.msk [tilespmem:v7+s7+$0x0], $0xffff;
	v7 =	vor.u32 $0x1C, v1  }
0xd8: {  	v11 =	vld.idx.msk [tilespmem:v8+s2+$0x0], $0xffff  }
0xd9: {  	v2 =	vadd.f32 v3, v2;
	v3 =	vmul.f32 v4, v12;
	v4 =	vld.idx.msk [tilespmem:v8+s7+$0x0], $0xffff;
	v8 =	vor.u32 $0x1D, v1  }
0xda: {  	v12 =	vld.idx.msk [tilespmem:v9+s2+$0x0], $0xffff  }
0xdb: {  	v2 =	vadd.f32 v3, v2;
	v3 =	vmul.f32 v6, v13;
	v6 =	vld.idx.msk [tilespmem:v9+s7+$0x0], $0xffff;
	v9 =	vor.u32 $0x1E, v1  }
0xdc: {  	v13 =	vld.idx.msk [tilespmem:v7+s2+$0x0], $0xffff  }
0xdd: {  	v1 =	vor.u32 $0x1F, v1;
	v2 =	vadd.f32 v3, v2;
	v3 =	vmul.f32 v5, v10;
	v5 =	vld.idx.msk [tilespmem:v7+s7+$0x0], $0xffff  }
0xde: {  	v7 =	vld.idx.msk [tilespmem:v8+s2+$0x0], $0xffff  }
0xdf: {  	v2 =	vadd.f32 v3, v2;
	v3 =	vmul.f32 v4, v11;
	v4 =	vld.idx.msk [tilespmem:v8+s7+$0x0], $0xffff  }
0xe0: {  	v8 =	vld.idx.msk [tilespmem:v9+s2+$0x0], $0xffff  }
0xe1: {  	v2 =	vadd.f32 v3, v2;
	v3 =	vmul.f32 v6, v12;
	v6 =	vld.idx.msk [tilespmem:v9+s7+$0x0], $0xffff  }
0xe2: {  	v9 =	vld.idx.msk [tilespmem:v1+s2+$0x0], $0xffff  }
0xe3: {  	v2 =	vadd.f32 v3, v2;
	v3 =	vmul.f32 v5, v13;
	v5 =	vld.idx.msk [tilespmem:v1+s7+$0x0], $0xffff;
	_ =	sdelay $0x1  }
.Ltmp0:
0xe4: {  	v1 =	vadd.f32 v3, v2;
	v2 =	vmul.f32 v4, v7;
	(pc) =	sbr.rel @p0 .LBB2_2-.Ltmp0, $4  }
0xe5: {  	_ = 	snop  }
0xe6: {  	v3 =	vmov s14;
	v2 =	vadd.f32 v2, v1;
	v4 =	vmul.f32 v6, v8  }
0xe7: {  	v1 =	vshll.u32 v3, $0x5  }
0xe8: {  	s14 =	sadd.s32 $0x10, s14;
	v1 =	vor.u32 v0, v1;
	v2 =	vadd.f32 v4, v2;
	v3 =	vmul.f32 v5, v9  }
0xe9: {  	_ = 	snop  }
0xea: {  	v4 =	vor.u32 $0x1, v1;
	v2 =	vadd.f32 v3, v2  }
0xeb: {  	s13 =	sadd.s32 $0x10, s13  }
0xec: {  	v3 =	vor.u32 $0x2, v1;
	[tilespmem:s13+$0x0] =	vst v2  }
0xed: {  	v2 =	vld.idx.msk [tilespmem:v1+s7+$0x0], $0xffff  }
0xee: {  	v6 =	vor.u32 $0x3, v1;
	v5 =	vld.idx.msk [tilespmem:v1+s2+$0x0], $0xffff  }
0xef: {  	v7 =	vld.idx.msk [tilespmem:v4+s2+$0x0], $0xffff  }
0xf0: {  	v8 =	vor.u32 $0x4, v1;
	v4 =	vld.idx.msk [tilespmem:v4+s7+$0x0], $0xffff  }
0xf1: {  	v9 =	vld.idx.msk [tilespmem:v3+s2+$0x0], $0xffff  }
0xf2: {  	v10 =	vor.u32 $0x5, v1;
	v3 =	vld.idx.msk [tilespmem:v3+s7+$0x0], $0xffff  }
0xf3: {  	v11 =	vld.idx.msk [tilespmem:v6+s2+$0x0], $0xffff  }
0xf4: {  	v12 =	vor.u32 $0x6, v1;
	v6 =	vld.idx.msk [tilespmem:v6+s7+$0x0], $0xffff  }
0xf5: {  	v13 =	vld.idx.msk [tilespmem:v8+s2+$0x0], $0xffff;
	v2 =	vmul.f32 v2, v5;
	v4 =	vmul.f32 v4, v7  }
0xf6: {  	v35 =	vor.u32 $0x7, v1;
	v34 =	vld.idx.msk [tilespmem:v8+s7+$0x0], $0xffff  }
0xf7: {  	v36 =	vld.idx.msk [tilespmem:v10+s2+$0x0], $0xffff;
	v3 =	vmul.f32 v3, v9;
	v2 =	vadd.f32 v4, v2  }
0xf8: {  	v38 =	vor.u32 $0x8, v1;
	v37 =	vld.idx.msk [tilespmem:v10+s7+$0x0], $0xffff  }
0xf9: {  	v39 =	vld.idx.msk [tilespmem:v12+s2+$0x0], $0xffff;
	v2 =	vadd.f32 v3, v2;
	v3 =	vmul.f32 v6, v11  }
0xfa: {  	v41 =	vor.u32 $0x9, v1;
	v40 =	vld.idx.msk [tilespmem:v12+s7+$0x0], $0xffff  }
0xfb: {  	v42 =	vld.idx.msk [tilespmem:v35+s2+$0x0], $0xffff;
	v2 =	vadd.f32 v3, v2;
	v3 =	vmul.f32 v34, v13  }
0xfc: {  	v44 =	vor.u32 $0xA, v1;
	v43 =	vld.idx.msk [tilespmem:v35+s7+$0x0], $0xffff  }
0xfd: {  	v45 =	vld.idx.msk [tilespmem:v38+s2+$0x0], $0xffff;
	v2 =	vadd.f32 v3, v2;
	v3 =	vmul.f32 v37, v36  }
0xfe: {  	v47 =	vor.u32 $0xB, v1;
	v46 =	vld.idx.msk [tilespmem:v38+s7+$0x0], $0xffff  }
0xff: {  	v48 =	vld.idx.msk [tilespmem:v41+s2+$0x0], $0xffff;
	v2 =	vadd.f32 v3, v2;
	v3 =	vmul.f32 v40, v39  }
0x100: {  	v50 =	vor.u32 $0xC, v1;
	v49 =	vld.idx.msk [tilespmem:v41+s7+$0x0], $0xffff  }
0x101: {  	v51 =	vld.idx.msk [tilespmem:v44+s2+$0x0], $0xffff;
	v2 =	vadd.f32 v3, v2;
	v3 =	vmul.f32 v43, v42  }
0x102: {  	v53 =	vor.u32 $0xD, v1;
	v52 =	vld.idx.msk [tilespmem:v44+s7+$0x0], $0xffff  }
0x103: {  	v54 =	vld.idx.msk [tilespmem:v47+s2+$0x0], $0xffff;
	v2 =	vadd.f32 v3, v2;
	v3 =	vmul.f32 v46, v45  }
0x104: {  	v56 =	vor.u32 $0xE, v1;
	v55 =	vld.idx.msk [tilespmem:v47+s7+$0x0], $0xffff  }
0x105: {  	v57 =	vld.idx.msk [tilespmem:v50+s2+$0x0], $0xffff;
	v2 =	vadd.f32 v3, v2;
	v3 =	vmul.f32 v49, v48  }
0x106: {  	v59 =	vor.u32 $0xF, v1;
	v58 =	vld.idx.msk [tilespmem:v50+s7+$0x0], $0xffff  }
0x107: {  	v60 =	vld.idx.msk [tilespmem:v53+s2+$0x0], $0xffff;
	v2 =	vadd.f32 v3, v2;
	v3 =	vmul.f32 v52, v51  }
0x108: {  	v62 =	vor.u32 $0x10, v1;
	v61 =	vld.idx.msk [tilespmem:v53+s7+$0x0], $0xffff  }
0x109: {  	v63 =	vld.idx.msk [tilespmem:v56+s2+$0x0], $0xffff;
	v2 =	vadd.f32 v3, v2;
	v3 =	vmul.f32 v55, v54  }
0x10a: {  	v17 =	vor.u32 $0x11, v1;
	v16 =	vld.idx.msk [tilespmem:v56+s7+$0x0], $0xffff  }
0x10b: {  	v18 =	vld.idx.msk [tilespmem:v59+s2+$0x0], $0xffff;
	v2 =	vadd.f32 v3, v2;
	v3 =	vmul.f32 v58, v57  }
0x10c: {  	v20 =	vor.u32 $0x12, v1;
	v19 =	vld.idx.msk [tilespmem:v59+s7+$0x0], $0xffff  }
0x10d: {  	v21 =	vld.idx.msk [tilespmem:v62+s2+$0x0], $0xffff;
	v2 =	vadd.f32 v3, v2;
	v3 =	vmul.f32 v61, v60  }
0x10e: {  	v23 =	vor.u32 $0x13, v1;
	v22 =	vld.idx.msk [tilespmem:v62+s7+$0x0], $0xffff  }
0x10f: {  	v24 =	vld.idx.msk [tilespmem:v17+s2+$0x0], $0xffff;
	v2 =	vadd.f32 v3, v2;
	v3 =	vmul.f32 v16, v63  }
0x110: {  	v26 =	vor.u32 $0x14, v1;
	v25 =	vld.idx.msk [tilespmem:v17+s7+$0x0], $0xffff  }
0x111: {  	v27 =	vld.idx.msk [tilespmem:v20+s2+$0x0], $0xffff;
	v2 =	vadd.f32 v3, v2;
	v3 =	vmul.f32 v19, v18  }
0x112: {  	v29 =	vor.u32 $0x15, v1;
	v28 =	vld.idx.msk [tilespmem:v20+s7+$0x0], $0xffff  }
0x113: {  	v30 =	vld.idx.msk [tilespmem:v23+s2+$0x0], $0xffff;
	v2 =	vadd.f32 v3, v2;
	v3 =	vmul.f32 v22, v21  }
0x114: {  	v32 =	vor.u32 $0x16, v1;
	v31 =	vld.idx.msk [tilespmem:v23+s7+$0x0], $0xffff  }
0x115: {  	v33 =	vld.idx.msk [tilespmem:v26+s2+$0x0], $0xffff;
	v2 =	vadd.f32 v3, v2;
	v3 =	vmul.f32 v25, v24  }
0x116: {  	v35 =	vor.u32 $0x17, v1;
	v34 =	vld.idx.msk [tilespmem:v26+s7+$0x0], $0xffff  }
0x117: {  	v36 =	vld.idx.msk [tilespmem:v29+s2+$0x0], $0xffff;
	v2 =	vadd.f32 v3, v2;
	v3 =	vmul.f32 v28, v27  }
0x118: {  	v38 =	vor.u32 $0x18, v1;
	v37 =	vld.idx.msk [tilespmem:v29+s7+$0x0], $0xffff  }
0x119: {  	v39 =	vld.idx.msk [tilespmem:v32+s2+$0x0], $0xffff;
	v2 =	vadd.f32 v3, v2;
	v3 =	vmul.f32 v31, v30  }
0x11a: {  	v41 =	vor.u32 $0x19, v1;
	v40 =	vld.idx.msk [tilespmem:v32+s7+$0x0], $0xffff  }
0x11b: {  	v42 =	vld.idx.msk [tilespmem:v35+s2+$0x0], $0xffff;
	v2 =	vadd.f32 v3, v2;
	v3 =	vmul.f32 v34, v33  }
0x11c: {  	v44 =	vor.u32 $0x1A, v1;
	v43 =	vld.idx.msk [tilespmem:v35+s7+$0x0], $0xffff  }
0x11d: {  	v45 =	vld.idx.msk [tilespmem:v38+s2+$0x0], $0xffff;
	v2 =	vadd.f32 v3, v2;
	v3 =	vmul.f32 v37, v36  }
0x11e: {  	v47 =	vor.u32 $0x1B, v1;
	v46 =	vld.idx.msk [tilespmem:v38+s7+$0x0], $0xffff  }
0x11f: {  	v48 =	vld.idx.msk [tilespmem:v41+s2+$0x0], $0xffff;
	v2 =	vadd.f32 v3, v2;
	v3 =	vmul.f32 v40, v39  }
0x120: {  	v50 =	vor.u32 $0x1C, v1;
	v49 =	vld.idx.msk [tilespmem:v41+s7+$0x0], $0xffff  }
0x121: {  	v51 =	vld.idx.msk [tilespmem:v44+s2+$0x0], $0xffff;
	v2 =	vadd.f32 v3, v2;
	v3 =	vmul.f32 v43, v42  }
0x122: {  	v53 =	vor.u32 $0x1D, v1;
	v52 =	vld.idx.msk [tilespmem:v44+s7+$0x0], $0xffff  }
0x123: {  	v54 =	vld.idx.msk [tilespmem:v47+s2+$0x0], $0xffff;
	v2 =	vadd.f32 v3, v2;
	v3 =	vmul.f32 v46, v45  }
0x124: {  	v56 =	vor.u32 $0x1E, v1;
	v55 =	vld.idx.msk [tilespmem:v47+s7+$0x0], $0xffff  }
0x125: {  	v57 =	vld.idx.msk [tilespmem:v50+s2+$0x0], $0xffff;
	v2 =	vadd.f32 v3, v2;
	v3 =	vmul.f32 v49, v48  }
0x126: {  	v1 =	vor.u32 $0x1F, v1;
	v58 =	vld.idx.msk [tilespmem:v50+s7+$0x0], $0xffff  }
0x127: {  	v59 =	vld.idx.msk [tilespmem:v53+s2+$0x0], $0xffff;
	v2 =	vadd.f32 v3, v2;
	v3 =	vmul.f32 v52, v51  }
0x128: {  	v60 =	vld.idx.msk [tilespmem:v53+s7+$0x0], $0xffff  }
0x129: {  	v62 =	vld.idx.msk [tilespmem:v56+s7+$0x0], $0xffff;
	v2 =	vadd.f32 v3, v2;
	v3 =	vmul.f32 v55, v54  }
0x12a: {  	v61 =	vld.idx.msk [tilespmem:v56+s2+$0x0], $0xffff  }
0x12b: {  	v63 =	vld.idx.msk [tilespmem:v1+s2+$0x0], $0xffff;
	v2 =	vadd.f32 v3, v2;
	v3 =	vmul.f32 v58, v57  }
0x12c: {  	v1 =	vld.idx.msk [tilespmem:v1+s7+$0x0], $0xffff  }
0x12d: {  	v2 =	vadd.f32 v3, v2;
	v3 =	vmul.f32 v60, v59;
	_ =	sdelay $0x1  }
0x12e: {  	v2 =	vadd.f32 v3, v2;
	v3 =	vmul.f32 v62, v61;
	_ =	sdelay $0x1  }
0x12f: {  	v1 =	vmul.f32 v1, v63;
	v2 =	vadd.f32 v3, v2;
	_ =	sdelay $0x1  }
0x130: {  	s12 =	sadd.s32 $0x1, s12;
	v1 =	vadd.f32 v1, v2  }
0x131: {  	p0 =	sne.s32 s12, s6;
	s13 =	sadd.s32 $0x10, s13  }
.Ltmp1:
0x132: {  	[tilespmem:s13+$0x0] =	vst v1;
	(pc) =	sbr.rel @p0 .LBB2_1-.Ltmp1, $4  }
0x133: {  	[hbm4b:s5+s2] =	stream.linear.scatter [tilespmem:s10], [sflag:$0x3], $0x200, $0x38;
	[tilespmem:$0x8200] =	vst v63  }
0x134: {  	_ =	swait.ge [sflag:s11], $0x200  }
0x135: {  	[sflag:s11] =	ssyncset.done $0x0  }
0x136: {  	[sflag:s11] =	ssyncadd.s32 $0xFFFFFE00  }
0x137: {  	_ =	sfence.sel $0x180000  }
0x138: {  	[bflag:$0x0] =	sbarrier.arrive $0xFFFF  }
0x139: {  	p0 =	sne.s32 s0, $0x0;
	_ =	strace $0x9000004D  }
0x13a: {  	s0 =	sadd.s32 @!p0 $0x100000, s1;
	[bflag:$0x2] =	sbarrier.arrive $0xFFFF  }
0x13b: {  	[sflag:s0] =	ssyncadd.tile.s32 @!p0 $0x1;
	_ =	shalt  }
.Lfunc_end2:
_tile_overlayer_lowered:
.L_overlay_start_2:
0x13c: {  	(tag) =	ssettag $0x2  }
0x13d: {  	s0 =	rddreg [dreg:$0x0];
	s2 =	stileid.u32  }
0x13e: {  	s1 =	rddreg [dreg:$0x1];
	p0 =	sne.s32 s2, $0x0  }
0x13f: {  	s3 =	rddreg [dreg:$0x2];
	[bflag:$0x3] =	sbarrier.arrive $0xFFFF;
	s2 =	simm.s32 @!p0 $0x1C03  }
0x140: {  	[timem:s3], [sflag:s2] =	dma.local @!p0 [hbm:s0], s1  }
0x141: {  	s0 =	simm.s32 @!p0 $0x3  }
0x142: {  	_ =	swait.ge @!p0 [sflag:s0], s1  }
0x143: {  	s1 =	ssub.s32 @!p0 $0x0, s1;
	[sflag:s0] =	ssyncset.done @!p0 $0x0  }
0x144: {  	[sflag:s0] =	ssyncadd.s32 @!p0 s1  }
0x145: {  	[bflag:$0x3] =	sbarrier.arrive $0xFFFF  }
0x146: {  	_ =	shalt  }

// kernel: _mf.5.cloned.1.call-start
scs
__scs_entry_jumppad:
0x0: {  	(pc) =	sbr.rel $0x88, $3  }
0x1: {  	(tag) =	ssettag $0x0;
	lr =	simm.s32 $0x1  }
0x2: {  	[smem:$0x3F9D] =	sst lr;
	_ =	strace $0xD0000000  }
0x3: {  	_ = 	snop  }
0x4: {  	_ = 	snop  }
0x5: {  	_ = 	snop  }
0x6: {  	_ = 	snop  }
0x7: {  	_ = 	snop  }
__scs_overlays_trampoline_lowered:
0x8: {  	[smem:$0x3FAC] =	sst s0  }
0x9: {  	[smem:$0x3FAD] =	sst s1  }
0xa: {  	[smem:$0x3FAE] =	sst s2  }
0xb: {  	[smem:$0x3FAF] =	sst s3  }
0xc: {  	[smem:$0x3FB0] =	sst s4  }
0xd: {  	[smem:$0x3FB1] =	sst s5  }
0xe: {  	[smem:$0x3FB2] =	sst s6  }
0xf: {  	[smem:$0x3FB3] =	sst s7  }
0x10: {  	[smem:$0x3FB4] =	sst s8  }
0x11: {  	[smem:$0x3FB5] =	sst s9;
	s0 =	simm.s32 @!p0 $0x0  }
0x12: {  	s1 =	sld [smem:$0x3F9B];
	s0 =	simm.s32 @p0 $0x1  }
0x13: {  	[smem:$0x3FB6] =	sst s0;
	s0 =	simm.s32 @!p1 $0x0  }
0x14: {  	s2 =	sld [smem:$0x3F9A];
	s0 =	simm.s32 @p1 $0x1  }
0x15: {  	[smem:$0x3FB7] =	sst s0;
	s0 =	simm.s32 @!p2 $0x0  }
0x16: {  	s3 =	sld [smem:$0x3FDB];
	s0 =	simm.s32 @p2 $0x1  }
0x17: {  	s4 =	simm.s32 $0x1BF5;
	[smem:$0x3FB9] =	sst s0  }
0x18: {  	s0 =	sld [smem:$0x3F9C];
	_ =	swait.ge [sflag:s4], $0x0  }
0x19: {  	s7 =	sld [smem:$0x3F9D]  }
0x1a: {  	s8 =	sadd.s32 $0xFFFFE003, lr  }
0x1b: {  	s9 =	sadd.s32 $0xFFFFFEF7, lr;
	s5 =	simm.s32 $0xFFFFFFFF;
	p2 =	slt.u32 s8, $0xFFFFF086  }
0x1c: {  	p1 =	slt.u32 s9, $0xF7A;
	s5 =	simm.s32 @!p2 $0x0  }
0x1d: {  	s5 =	simm.s32 @p1 $0x1;
	p0 =	seq.s32 s7, s2  }
0x1e: {  	s7 =	smul.u32 @!p0 $0xF7A, s2;
	p2 =	seq.s32 @!p0 s5, $0x0  }
0x1f: {  	s9 =	smul.u32 $0xF7A, s1;
	s8 =	simm.s32 @!p0 $0x1BF5;
	p2 =	por !p2, p0  }
0x20: {  	[sflag:s8] =	ssyncset.s32 @!p0 $0xFFFFF086;
	s6 =	sadd.s32 @!p0 s3, s7;
	s7 =	simm.s32 @!p0 $0x108  }
0x21: {  	s3 =	sadd.s32 s3, s9;
	s6 =	sadd.s32 @!p0 $0x88, s6;
	s7 =	simm.s32 @p2 $0x1082  }
0x22: {  	[simem:s7], [sflag:s8] =	dma.local @!p0 [hbm:s6], $0xF7A  }
0x23: {  	s9 =	sor.u32 $0xD0000000, s2;
	s6 =	simm.s32 $0x108;
	_ =	swait.ge @!p0 [sflag:s8], $0x0  }
0x24: {  	s3 =	sadd.s32 $0x88, s3;
	s6 =	simm.s32 @!p1 $0x1082;
	[sflag:s4] =	ssyncset.s32 $0xFFFFF086  }
0x25: {  	[simem:s6], [sflag:s4] =	dma.local [hbm:s3], $0xF7A  }
0x26: {  	[smem:$0x3F9D] =	sst s1;
	(tag) =	ssettag s2;
	_ =	strace s9  }
0x27: {  	s1 =	sld [smem:$0x3FAD]  }
0x28: {  	s2 =	sld [smem:$0x3FAE]  }
0x29: {  	s4 =	sld [smem:$0x3FB0]  }
0x2a: {  	p0 =	seq.s32 s5, $0x0;
	s5 =	sld [smem:$0x3FB1]  }
0x2b: {  	s6 =	sld [smem:$0x3FB2]  }
0x2c: {  	s7 =	sld [smem:$0x3FB3]  }
0x2d: {  	s3 =	simm.s32 $0x108;
	s8 =	sld [smem:$0x3FB4]  }
0x2e: {  	s3 =	simm.s32 @!p0 $0x1082;
	s9 =	sld [smem:$0x3FB5]  }
0x2f: {  	lr =	sadd.s32 s0, s3;
	s0 =	sld [smem:$0x3FAC]  }
0x30: {  	s3 =	sld [smem:$0x3FAF]  }
0x31: {  	[smem:$0x3FB8] =	sst s10  }
0x32: {  	s10 =	sld [smem:$0x3FB6];
	_ =	sdelay $0x3  }
0x33: {  	p0 =	seq.s32 s10, $0x1;
	s10 =	sld [smem:$0x3FB8];
	_ =	sdelay $0x3  }
0x34: {  	[smem:$0x3FB8] =	sst s10  }
0x35: {  	s10 =	sld [smem:$0x3FB7];
	_ =	sdelay $0x3  }
0x36: {  	p1 =	seq.s32 s10, $0x1;
	s10 =	sld [smem:$0x3FB8];
	_ =	sdelay $0x3  }
0x37: {  	[smem:$0x3FB8] =	sst s10  }
0x38: {  	s10 =	sld [smem:$0x3FB9]  }
0x39: {  	_ = 	snop;
	(pc) =	sbr.ind lr, $3  }
0x3a: {  	_ = 	snop  }
0x3b: {  	_ = 	snop  }
0x3c: {  	p2 =	seq.s32 s10, $0x1;
	s10 =	sld [smem:$0x3FB8]  }
0x3d: {  	_ =	shalt  }
0x3e: {  	_ =	shalt  }
0x3f: {  	_ =	shalt  }
0x40: {  	_ =	shalt  }
0x41: {  	_ =	shalt  }
0x42: {  	_ =	shalt  }
0x43: {  	_ =	shalt  }
0x44: {  	_ =	shalt  }
0x45: {  	_ =	shalt  }
0x46: {  	_ =	shalt  }
0x47: {  	_ =	shalt  }
0x48: {  	_ =	shalt  }
0x49: {  	_ =	shalt  }
0x4a: {  	_ =	shalt  }
0x4b: {  	_ =	shalt  }
0x4c: {  	_ =	shalt  }
0x4d: {  	_ =	shalt  }
0x4e: {  	_ =	shalt  }
0x4f: {  	_ =	shalt  }
0x50: {  	_ =	shalt  }
0x51: {  	_ =	shalt  }
0x52: {  	_ =	shalt  }
0x53: {  	_ =	shalt  }
0x54: {  	_ =	shalt  }
0x55: {  	_ =	shalt  }
0x56: {  	_ =	shalt  }
0x57: {  	_ =	shalt  }
0x58: {  	_ =	shalt  }
0x59: {  	_ =	shalt  }
0x5a: {  	_ =	shalt  }
0x5b: {  	_ =	shalt  }
0x5c: {  	_ =	shalt  }
0x5d: {  	_ =	shalt  }
0x5e: {  	_ =	shalt  }
0x5f: {  	_ =	shalt  }
0x60: {  	_ =	shalt  }
0x61: {  	_ =	shalt  }
0x62: {  	_ =	shalt  }
0x63: {  	_ =	shalt  }
0x64: {  	_ =	shalt  }
0x65: {  	_ =	shalt  }
0x66: {  	_ =	shalt  }
0x67: {  	_ =	shalt  }
0x68: {  	_ =	shalt  }
0x69: {  	_ =	shalt  }
0x6a: {  	_ =	shalt  }
0x6b: {  	_ =	shalt  }
0x6c: {  	_ =	shalt  }
0x6d: {  	_ =	shalt  }
0x6e: {  	_ =	shalt  }
0x6f: {  	_ =	shalt  }
0x70: {  	_ =	shalt  }
0x71: {  	_ =	shalt  }
0x72: {  	_ =	shalt  }
0x73: {  	_ =	shalt  }
0x74: {  	_ =	shalt  }
0x75: {  	_ =	shalt  }
0x76: {  	_ =	shalt  }
0x77: {  	_ =	shalt  }
0x78: {  	_ =	shalt  }
0x79: {  	_ =	shalt  }
0x7a: {  	_ =	shalt  }
0x7b: {  	_ =	shalt  }
0x7c: {  	_ =	shalt  }
0x7d: {  	_ =	shalt  }
0x7e: {  	_ =	shalt  }
0x7f: {  	_ =	shalt  }
0x80: {  	_ =	shalt  }
0x81: {  	_ =	shalt  }
0x82: {  	_ =	shalt  }
0x83: {  	_ =	shalt  }
0x84: {  	_ =	shalt  }
0x85: {  	_ =	shalt  }
0x86: {  	_ =	shalt  }
0x87: {  	_ =	shalt  }
.Lfunc_end0:
.L_simem_size_0:
called_computation_lowered:
.L_overlay_start_0:
0x88: {  	s2 =	sld [smem:$0x3FD9]  }
0x89: {  	s3 =	sld [smem:$0x3FFE];
	_ =	sdelay $0x1  }
0x8a: {  	s1 =	srdreg.scid  }
0x8b: {  	s0 =	sand.u32 $0x1, s1  }
0x8c: {  	s17 =	sshll.u32 s0, $0xA;
	s2 =	sadd.s32 s3, s2  }
0x8d: {  	s2 =	sadd.s32 s2, s17  }
0x8e: {  	[smem:$0x3FC4] =	sst s2  }
0x8f: {  	_ = 	snop  }
0x90: {  	s2 =	sld [smem:$0x3FC9];
	(tm) =	ssettm $0x1  }
0x91: {  	s18 =	sld [smem:$0x3FFB];
	_ =	sdelay $0x3  }
0x92: {  	_ =	strace s18  }
0x93: {  	s3 =	sld [smem:$0x3FFC];
	_ =	sdelay $0x3  }
0x94: {  	_ =	strace s3  }
0x95: {  	s3 =	sld [smem:$0x3FFD];
	_ =	sdelay $0x3  }
0x96: {  	_ =	strace s3  }
0x97: {  	_ =	strace $0x8FFFFFFF  }
0x98: {  	s19 =	sld [smem:$0x3FDB];
	_ =	sdelay $0x1  }
0x99: {  	s4 =	simm.s32 $_scs_section_size  }
0x9a: {  	s5 =	simm.s32 $_size__tile_overlayer_lowered;
	s6 =	simm.s32 $_tile_overlayer_lowered  }
0x9b: {  	s22 =	simm.s32 $0x1BFF;
	s21 =	sshll.u32 s6, $0x1;
	s3 =	sadd.s32 s4, s19  }
0x9c: {  	s7 =	simm.s32 $0x0;
	s20 =	sshll.u32 s5, $0x1;
	s5 =	sadd.s32 s21, s3  }
0x9d: {  	[timem:s7], [sflag:s22] =	dma.local [hbm:s5], s20  }
0x9e: {  	_ =	swait.ge [sflag:s22], s20  }
0x9f: {  	s4 =	ssub.s32 $0x0, s20;
	[sflag:s22] =	ssyncset.done $0x0  }
0xa0: {  	[sflag:s22] =	ssyncadd.s32 s4;
	_ =	sdelay $0x1  }
0xa1: {  	s23 =	simm.s32 $0x1B8B  }
0xa2: {  	_ =	swait.ge [sflag:s23], $0x1  }
0xa3: {  	[sflag:s23] =	ssyncset.done $0x0  }
0xa4: {  	s25 =	simm.s32 $0x1B8E;
	s24 =	sld [smem:$0x3FFE];
	[sflag:s23] =	ssyncadd.s32 $0xFFFFFFFF  }
0xa5: {  	s26 =	simm.s32 $execute0_lowered;
	[smem:$0x3FD2] =	sst s25  }
0xa6: {  	s5 =	sshll.u32 s26, $0x1;
	_ =	strace $0x80000046;
	[dreg:$0x1] =	wrdreg $0xFFFFFFFF  }
0xa7: {  	s28 =	simm.s32 $_size_execute0_lowered;
	s3 =	sadd.s32 s3, s5;
	[dreg:$0x0] =	wrdreg $0x0  }
0xa8: {  	s5 =	sshll.u32 s28, $0x1;
	[dreg:$0x2] =	wrdreg s3  }
0xa9: {  	[dreg:$0x3] =	wrdreg s5  }
0xaa: {  	[dreg:$0x4] =	wrdreg $0xC0  }
0xab: {  	_ =	task [dreg:s7], $0x5FFFF  }
0xac: {  	[dreg:$0x1] =	wrdreg $0xFFFFFFFF  }
0xad: {  	[dreg:$0x0] =	wrdreg $0x60  }
0xae: {  	[dreg:$0x2] =	wrdreg s2  }
0xaf: {  	[dreg:$0x3] =	wrdreg s24  }
0xb0: {  	[dreg:$0x4] =	wrdreg $0x9  }
0xb1: {  	_ =	task.clear_ibuf [dreg:s7], $0x5FFFF;
	_ =	strace $0x90000046  }
0xb2: {  	s29 =	simm.s32 $0x9;
	_ =	strace $0x80000048  }
0xb3: {  	_ =	swait.ge [sflag:s29], $0x1  }
0xb4: {  	[sflag:s29] =	ssyncadd.s32 $0xFFFFFFFF  }
0xb5: {  	_ =	strace $0x90000048  }
0xb6: {  	_ =	sfence  }
0xb7: {  	s30 =	sld [smem:$0x0];
	_ =	sdelay $0x2  }
0xb8: {  	s31 =	sshll.u32 s1, $0xD;
	s1 =	sshrl.u32 s1, $0x2  }
0xb9: {  	s3 =	sand.u32 $0x4000, s31;
	s1 =	sadd.s32 s1, s30  }
0xba: {  	s0 =	sor.u32 s3, s0;
	s1 =	sshll.u32 s1, $0x11  }
0xbb: {  	s0 =	sor.u32 s1, s0  }
0xbc: {  	s0 =	sadd.s32 $0x8F2B, s0  }
0xbd: {  	[sflag:s0] =	ssyncadd.remote.s32 $0x1  }
0xbe: {  	_ =	sfence.sel $0xFFFF  }
0xbf: {  	[dreg:$0x0] =	wrdreg $0xFFFFFFFF;
	(pc) =	sbr.abs _section_cstart, $3  }
0xc0: {  	[dreg:$0x1] =	wrdreg $0xFFFFFFFF  }
0xc1: {  	_ =	task.clear_ibuf [dreg:s7], $0x2FFFF;
	_ =	strace $0x9FFFFFFF  }
0xc2: {  	(tm) =	ssettm $0x7FFFFFFF  }
0xc3: {  	_ =	shalt  }
tec
execute0_lowered:
.L_overlay_start_1:
0x0: {  	(tag) =	ssettag $0x1  }
0x1: {  	s1 =	srdreg.scid  }
0x2: {  	s3 =	rddreg [dreg:$0x0];
	s0 =	stileid.u32;
	s12 =	sand.u32 $0x1, s1  }
0x3: {  	s14 =	rddreg [dreg:$0x1];
	s4 =	sshll.u32 s0, $0xA;
	s5 =	sshll.u32 s12, $0x9  }
0x4: {  	s2 =	simm.s32 $0x0;
	s1 =	rddreg [dreg:$0x2];
	s15 =	sor.u32 s5, s4  }
0x5: {  	[smem:$0x7FF] =	sst s2;
	s4 =	sshrl.u32 s15, $0x3  }
0x6: {  	_ =	strace $0x80000047;
	s4 =	sadd.s32 s3, s4;
	s3 =	simm.s32 $0x2  }
0x7: {  	[tilespmem:s2], [sflag:$0x2] =	stream.linear.gather [hbm4b:s4+s2], $0x200, $0x38;
	[tilespmem:$0x4200] =	vst v63  }
0x8: {  	_ =	swait.ge [sflag:s3], $0x200  }
0x9: {  	s6 =	simm.s32 $0x80;
	s7 =	simm.s32 $0x200;
	[sflag:s3] =	ssyncset.done $0x0  }
0xa: {  	s8 =	simm.s32 $0x1;
	s5 =	sadd.s32 $0xF43000, s14;
	[sflag:s3] =	ssyncadd.s32 $0xFFFFFE00  }
0xb: {  	[tilespmem:s7], [sflag:$0x1] =	stream.indirect.gather [hbm4b:s5+s6], $0x20, s2, s6, $0xb8;
	[tilespmem:$0x4200] =	vst v63  }
0xc: {  	_ =	swait.ge [sflag:s8], $0x1000  }
0xd: {  	[sflag:s8] =	ssyncset.done $0x0  }
0xe: {  	s9 =	simm.s32 $0x1200;
	[sflag:s8] =	ssyncadd.s32 $0xFFFFF000  }
0xf: {  	[tilespmem:s9], [sflag:$0x1] =	stream.indirect.gather [hbm4b:s5+s6], $0x20, s6, s6, $0xb8;
	[tilespmem:$0x4200] =	vst v63  }
0x10: {  	_ =	swait.ge [sflag:s8], $0x1000  }
0x11: {  	s10 =	simm.s32 $0x100;
	s11 =	simm.s32 $0x2200;
	[sflag:s8] =	ssyncset.done $0x0  }
0x12: {  	s13 =	simm.s32 $0x3200;
	s16 =	ssub.s32 $0x2, s12;
	[sflag:s8] =	ssyncadd.s32 $0xFFFFF000  }
0x13: {  	[tilespmem:s11], [sflag:$0x1] =	stream.indirect.gather [hbm4b:s5+s6], $0x20, s10, s6, $0xb8;
	[tilespmem:$0x4200] =	vst v63  }
0x14: {  	s12 =	simm.s32 $0x180;
	s17 =	sshrl.u32 s16, $0x1;
	_ =	swait.ge [sflag:s8], $0x1000  }
0x15: {  	s15 =	sshll.u32 s15, $0x2;
	s31 =	ssub.s32 s16, s17;
	[sflag:s8] =	ssyncset.done $0x0  }
0x16: {  	s14 =	sadd.s32 s15, s14;
	s15 =	smax.u32 s31, $0x1;
	[sflag:s8] =	ssyncadd.s32 $0xFFFFF000  }
0x17: {  	[tilespmem:s13], [sflag:$0x1] =	stream.indirect.gather [hbm4b:s5+s6], $0x20, s12, s6, $0xb8;
	[tilespmem:$0x4200] =	vst v63  }
0x18: {  	p0 =	sne.s32 s15, $0x1;
	_ =	swait.ge [sflag:s8], $0x1000  }
.Ltmp0:
0x19: {  	[sflag:s8] =	ssyncset.done $0x0;
	(pc) =	sbr.rel @!p0 .LBB2_2-.Ltmp0, $4  }
0x1a: {  	s14 =	sadd.s32 $0xC00, s14;
	[sflag:s8] =	ssyncadd.s32 $0xFFFFF000  }
0x1b: {  	[hbm4b:s14+s2] =	stream.linear.scatter [tilespmem:s7], [sflag:$0x2], $0x4000, $0x38;
	[tilespmem:$0x4200] =	vst v63  }
0x1c: {  	_ =	swait.ge [sflag:s3], $0x4000  }
0x1d: {  	s15 =	sadd.s32 $0xFFFFFFFF, s15;
	[sflag:s3] =	ssyncset.done $0x0  }
.LBB2_1:
0x1e: {  	p0 =	sne.s32 s15, $0x1;
	s15 =	sadd.s32 $0xFFFFFFFF, s15;
	[sflag:s3] =	ssyncadd.s32 $0xFFFFC000  }
0x1f: {  	[tilespmem:s2], [sflag:$0x2] =	stream.linear.gather [hbm4b:s4+s2], $0x200, $0x38;
	[tilespmem:$0x4200] =	vst v63  }
0x20: {  	_ =	swait.ge [sflag:s3], $0x200  }
0x21: {  	[sflag:s3] =	ssyncset.done $0x0  }
0x22: {  	[sflag:s3] =	ssyncadd.s32 $0xFFFFFE00  }
0x23: {  	[tilespmem:s7], [sflag:$0x1] =	stream.indirect.gather [hbm4b:s5+s6], $0x20, s2, s6, $0xb8;
	[tilespmem:$0x4200] =	vst v63  }
0x24: {  	_ =	swait.ge [sflag:s8], $0x1000  }
0x25: {  	[sflag:s8] =	ssyncset.done $0x0  }
0x26: {  	[sflag:s8] =	ssyncadd.s32 $0xFFFFF000  }
0x27: {  	[tilespmem:s9], [sflag:$0x1] =	stream.indirect.gather [hbm4b:s5+s6], $0x20, s6, s6, $0xb8;
	[tilespmem:$0x4200] =	vst v63  }
0x28: {  	_ =	swait.ge [sflag:s8], $0x1000  }
0x29: {  	[sflag:s8] =	ssyncset.done $0x0  }
0x2a: {  	[sflag:s8] =	ssyncadd.s32 $0xFFFFF000  }
0x2b: {  	[tilespmem:s11], [sflag:$0x1] =	stream.indirect.gather [hbm4b:s5+s6], $0x20, s10, s6, $0xb8;
	[tilespmem:$0x4200] =	vst v63  }
0x2c: {  	_ =	swait.ge [sflag:s8], $0x1000  }
0x2d: {  	[sflag:s8] =	ssyncset.done $0x0  }
0x2e: {  	[sflag:s8] =	ssyncadd.s32 $0xFFFFF000  }
0x2f: {  	[tilespmem:s13], [sflag:$0x1] =	stream.indirect.gather [hbm4b:s5+s6], $0x20, s12, s6, $0xb8;
	[tilespmem:$0x4200] =	vst v63  }
0x30: {  	_ =	swait.ge [sflag:s8], $0x1000  }
.Ltmp1:
0x31: {  	[sflag:s8] =	ssyncset.done $0x0;
	(pc) =	sbr.rel @p0 .LBB2_1-.Ltmp1, $4  }
0x32: {  	[sflag:s8] =	ssyncadd.s32 $0xFFFFF000  }
0x33: {  	[hbm4b:s14+s2] =	stream.linear.scatter [tilespmem:s7], [sflag:$0x2], $0x4000, $0x38;
	[tilespmem:$0x4200] =	vst v63  }
0x34: {  	_ =	swait.ge [sflag:s3], $0x4000  }
0x35: {  	[sflag:s3] =	ssyncset.done $0x0  }
.LBB2_2:
0x36: {  	[sflag:s3] =	ssyncadd.s32 $0xFFFFC000  }
0x37: {  	_ =	sfence.sel $0x180000  }
0x38: {  	[bflag:$0x0] =	sbarrier.arrive $0xFFFF  }
0x39: {  	p0 =	sne.s32 s0, $0x0;
	_ =	strace $0x90000047  }
0x3a: {  	s0 =	sadd.s32 @!p0 $0x100000, s1;
	[bflag:$0x2] =	sbarrier.arrive $0xFFFF  }
0x3b: {  	[sflag:s0] =	ssyncadd.tile.s32 @!p0 $0x1;
	_ =	shalt  }
.Lfunc_end2:
_tile_overlayer_lowered:
.L_overlay_start_2:
0x3c: {  	(tag) =	ssettag $0x2  }
0x3d: {  	s0 =	rddreg [dreg:$0x0];
	s2 =	stileid.u32  }
0x3e: {  	s1 =	rddreg [dreg:$0x1];
	p0 =	sne.s32 s2, $0x0  }
0x3f: {  	s3 =	rddreg [dreg:$0x2];
	[bflag:$0x3] =	sbarrier.arrive $0xFFFF;
	s2 =	simm.s32 @!p0 $0x1C02  }
0x40: {  	[timem:s3], [sflag:s2] =	dma.local @!p0 [hbm:s0], s1  }
0x41: {  	s0 =	simm.s32 @!p0 $0x2  }
0x42: {  	_ =	swait.ge @!p0 [sflag:s0], s1  }
0x43: {  	s1 =	ssub.s32 @!p0 $0x0, s1;
	[sflag:s0] =	ssyncset.done @!p0 $0x0  }
0x44: {  	[sflag:s0] =	ssyncadd.s32 @!p0 s1  }
0x45: {  	[bflag:$0x3] =	sbarrier.arrive $0xFFFF  }
0x46: {  	_ =	shalt  }

// kernel: _mf.8.cloned.1.call-start
scs
__scs_entry_jumppad:
0x0: {  	(pc) =	sbr.rel $0x88, $3  }
0x1: {  	(tag) =	ssettag $0x0;
	lr =	simm.s32 $0x1  }
0x2: {  	[smem:$0x3F9D] =	sst lr;
	_ =	strace $0xD0000000  }
0x3: {  	_ = 	snop  }
0x4: {  	_ = 	snop  }
0x5: {  	_ = 	snop  }
0x6: {  	_ = 	snop  }
0x7: {  	_ = 	snop  }
__scs_overlays_trampoline_lowered:
0x8: {  	[smem:$0x3FAC] =	sst s0  }
0x9: {  	[smem:$0x3FAD] =	sst s1  }
0xa: {  	[smem:$0x3FAE] =	sst s2  }
0xb: {  	[smem:$0x3FAF] =	sst s3  }
0xc: {  	[smem:$0x3FB0] =	sst s4  }
0xd: {  	[smem:$0x3FB1] =	sst s5  }
0xe: {  	[smem:$0x3FB2] =	sst s6  }
0xf: {  	[smem:$0x3FB3] =	sst s7  }
0x10: {  	[smem:$0x3FB4] =	sst s8  }
0x11: {  	[smem:$0x3FB5] =	sst s9;
	s0 =	simm.s32 @!p0 $0x0  }
0x12: {  	s1 =	sld [smem:$0x3F9B];
	s0 =	simm.s32 @p0 $0x1  }
0x13: {  	[smem:$0x3FB6] =	sst s0;
	s0 =	simm.s32 @!p1 $0x0  }
0x14: {  	s2 =	sld [smem:$0x3F9A];
	s0 =	simm.s32 @p1 $0x1  }
0x15: {  	[smem:$0x3FB7] =	sst s0;
	s0 =	simm.s32 @!p2 $0x0  }
0x16: {  	s3 =	sld [smem:$0x3FDB];
	s0 =	simm.s32 @p2 $0x1  }
0x17: {  	s4 =	simm.s32 $0x1BF5;
	[smem:$0x3FB9] =	sst s0  }
0x18: {  	s0 =	sld [smem:$0x3F9C];
	_ =	swait.ge [sflag:s4], $0x0  }
0x19: {  	s7 =	sld [smem:$0x3F9D]  }
0x1a: {  	s8 =	sadd.s32 $0xFFFFE003, lr  }
0x1b: {  	s9 =	sadd.s32 $0xFFFFFEF7, lr;
	s5 =	simm.s32 $0xFFFFFFFF;
	p2 =	slt.u32 s8, $0xFFFFF086  }
0x1c: {  	p1 =	slt.u32 s9, $0xF7A;
	s5 =	simm.s32 @!p2 $0x0  }
0x1d: {  	s5 =	simm.s32 @p1 $0x1;
	p0 =	seq.s32 s7, s2  }
0x1e: {  	s7 =	smul.u32 @!p0 $0xF7A, s2;
	p2 =	seq.s32 @!p0 s5, $0x0  }
0x1f: {  	s9 =	smul.u32 $0xF7A, s1;
	s8 =	simm.s32 @!p0 $0x1BF5;
	p2 =	por !p2, p0  }
0x20: {  	[sflag:s8] =	ssyncset.s32 @!p0 $0xFFFFF086;
	s6 =	sadd.s32 @!p0 s3, s7;
	s7 =	simm.s32 @!p0 $0x108  }
0x21: {  	s3 =	sadd.s32 s3, s9;
	s6 =	sadd.s32 @!p0 $0x88, s6;
	s7 =	simm.s32 @p2 $0x1082  }
0x22: {  	[simem:s7], [sflag:s8] =	dma.local @!p0 [hbm:s6], $0xF7A  }
0x23: {  	s9 =	sor.u32 $0xD0000000, s2;
	s6 =	simm.s32 $0x108;
	_ =	swait.ge @!p0 [sflag:s8], $0x0  }
0x24: {  	s3 =	sadd.s32 $0x88, s3;
	s6 =	simm.s32 @!p1 $0x1082;
	[sflag:s4] =	ssyncset.s32 $0xFFFFF086  }
0x25: {  	[simem:s6], [sflag:s4] =	dma.local [hbm:s3], $0xF7A  }
0x26: {  	[smem:$0x3F9D] =	sst s1;
	(tag) =	ssettag s2;
	_ =	strace s9  }
0x27: {  	s1 =	sld [smem:$0x3FAD]  }
0x28: {  	s2 =	sld [smem:$0x3FAE]  }
0x29: {  	s4 =	sld [smem:$0x3FB0]  }
0x2a: {  	p0 =	seq.s32 s5, $0x0;
	s5 =	sld [smem:$0x3FB1]  }
0x2b: {  	s6 =	sld [smem:$0x3FB2]  }
0x2c: {  	s7 =	sld [smem:$0x3FB3]  }
0x2d: {  	s3 =	simm.s32 $0x108;
	s8 =	sld [smem:$0x3FB4]  }
0x2e: {  	s3 =	simm.s32 @!p0 $0x1082;
	s9 =	sld [smem:$0x3FB5]  }
0x2f: {  	lr =	sadd.s32 s0, s3;
	s0 =	sld [smem:$0x3FAC]  }
0x30: {  	s3 =	sld [smem:$0x3FAF]  }
0x31: {  	[smem:$0x3FB8] =	sst s10  }
0x32: {  	s10 =	sld [smem:$0x3FB6];
	_ =	sdelay $0x3  }
0x33: {  	p0 =	seq.s32 s10, $0x1;
	s10 =	sld [smem:$0x3FB8];
	_ =	sdelay $0x3  }
0x34: {  	[smem:$0x3FB8] =	sst s10  }
0x35: {  	s10 =	sld [smem:$0x3FB7];
	_ =	sdelay $0x3  }
0x36: {  	p1 =	seq.s32 s10, $0x1;
	s10 =	sld [smem:$0x3FB8];
	_ =	sdelay $0x3  }
0x37: {  	[smem:$0x3FB8] =	sst s10  }
0x38: {  	s10 =	sld [smem:$0x3FB9]  }
0x39: {  	_ = 	snop;
	(pc) =	sbr.ind lr, $3  }
0x3a: {  	_ = 	snop  }
0x3b: {  	_ = 	snop  }
0x3c: {  	p2 =	seq.s32 s10, $0x1;
	s10 =	sld [smem:$0x3FB8]  }
0x3d: {  	_ =	shalt  }
0x3e: {  	_ =	shalt  }
0x3f: {  	_ =	shalt  }
0x40: {  	_ =	shalt  }
0x41: {  	_ =	shalt  }
0x42: {  	_ =	shalt  }
0x43: {  	_ =	shalt  }
0x44: {  	_ =	shalt  }
0x45: {  	_ =	shalt  }
0x46: {  	_ =	shalt  }
0x47: {  	_ =	shalt  }
0x48: {  	_ =	shalt  }
0x49: {  	_ =	shalt  }
0x4a: {  	_ =	shalt  }
0x4b: {  	_ =	shalt  }
0x4c: {  	_ =	shalt  }
0x4d: {  	_ =	shalt  }
0x4e: {  	_ =	shalt  }
0x4f: {  	_ =	shalt  }
0x50: {  	_ =	shalt  }
0x51: {  	_ =	shalt  }
0x52: {  	_ =	shalt  }
0x53: {  	_ =	shalt  }
0x54: {  	_ =	shalt  }
0x55: {  	_ =	shalt  }
0x56: {  	_ =	shalt  }
0x57: {  	_ =	shalt  }
0x58: {  	_ =	shalt  }
0x59: {  	_ =	shalt  }
0x5a: {  	_ =	shalt  }
0x5b: {  	_ =	shalt  }
0x5c: {  	_ =	shalt  }
0x5d: {  	_ =	shalt  }
0x5e: {  	_ =	shalt  }
0x5f: {  	_ =	shalt  }
0x60: {  	_ =	shalt  }
0x61: {  	_ =	shalt  }
0x62: {  	_ =	shalt  }
0x63: {  	_ =	shalt  }
0x64: {  	_ =	shalt  }
0x65: {  	_ =	shalt  }
0x66: {  	_ =	shalt  }
0x67: {  	_ =	shalt  }
0x68: {  	_ =	shalt  }
0x69: {  	_ =	shalt  }
0x6a: {  	_ =	shalt  }
0x6b: {  	_ =	shalt  }
0x6c: {  	_ =	shalt  }
0x6d: {  	_ =	shalt  }
0x6e: {  	_ =	shalt  }
0x6f: {  	_ =	shalt  }
0x70: {  	_ =	shalt  }
0x71: {  	_ =	shalt  }
0x72: {  	_ =	shalt  }
0x73: {  	_ =	shalt  }
0x74: {  	_ =	shalt  }
0x75: {  	_ =	shalt  }
0x76: {  	_ =	shalt  }
0x77: {  	_ =	shalt  }
0x78: {  	_ =	shalt  }
0x79: {  	_ =	shalt  }
0x7a: {  	_ =	shalt  }
0x7b: {  	_ =	shalt  }
0x7c: {  	_ =	shalt  }
0x7d: {  	_ =	shalt  }
0x7e: {  	_ =	shalt  }
0x7f: {  	_ =	shalt  }
0x80: {  	_ =	shalt  }
0x81: {  	_ =	shalt  }
0x82: {  	_ =	shalt  }
0x83: {  	_ =	shalt  }
0x84: {  	_ =	shalt  }
0x85: {  	_ =	shalt  }
0x86: {  	_ =	shalt  }
0x87: {  	_ =	shalt  }
.Lfunc_end0:
.L_simem_size_0:
called_computation.1_lowered:
.L_overlay_start_0:
0x88: {  	s2 =	sld [smem:$0x3FD9]  }
0x89: {  	s3 =	sld [smem:$0x3FFE];
	_ =	sdelay $0x1  }
0x8a: {  	s1 =	srdreg.scid  }
0x8b: {  	s0 =	sand.u32 $0x1, s1  }
0x8c: {  	s17 =	sshll.u32 s0, $0xA;
	s2 =	sadd.s32 s3, s2  }
0x8d: {  	s2 =	sadd.s32 s2, s17  }
0x8e: {  	[smem:$0x3FC4] =	sst s2  }
0x8f: {  	_ = 	snop  }
0x90: {  	s18 =	sld [smem:$0x3FC8];
	(tm) =	ssettm $0x1  }
0x91: {  	s19 =	sld [smem:$0x3FFB];
	_ =	sdelay $0x3  }
0x92: {  	_ =	strace s19  }
0x93: {  	s2 =	sld [smem:$0x3FFC];
	_ =	sdelay $0x3  }
0x94: {  	_ =	strace s2  }
0x95: {  	s2 =	sld [smem:$0x3FFD];
	_ =	sdelay $0x3  }
0x96: {  	_ =	strace s2  }
0x97: {  	_ =	strace $0x8FFFFFFF  }
0x98: {  	s20 =	sld [smem:$0x3FDB];
	_ =	sdelay $0x1  }
0x99: {  	s4 =	simm.s32 $_scs_section_size  }
0x9a: {  	s5 =	simm.s32 $_size__tile_overlayer_lowered;
	s6 =	simm.s32 $_tile_overlayer_lowered  }
0x9b: {  	s7 =	simm.s32 $0x1BFF;
	s21 =	sshll.u32 s6, $0x1;
	s4 =	sadd.s32 s4, s20  }
0x9c: {  	s22 =	simm.s32 $0x0;
	s5 =	sshll.u32 s5, $0x1;
	s6 =	sadd.s32 s21, s4  }
0x9d: {  	[timem:s22], [sflag:s7] =	dma.local [hbm:s6], s5  }
0x9e: {  	_ =	swait.ge [sflag:s7], s5  }
0x9f: {  	s5 =	ssub.s32 $0x0, s5;
	[sflag:s7] =	ssyncset.done $0x0  }
0xa0: {  	[sflag:s7] =	ssyncadd.s32 s5;
	_ =	sdelay $0x1  }
0xa1: {  	s23 =	simm.s32 $0x1B8B  }
0xa2: {  	_ =	swait.ge [sflag:s23], $0x1  }
0xa3: {  	[sflag:s23] =	ssyncset.done $0x0  }
0xa4: {  	[sflag:s23] =	ssyncadd.s32 $0xFFFFFFFF  }
0xa5: {  	s5 =	sld [smem:$0x0]  }
0xa6: {  	s6 =	sand.u32 $0xFFFFFFFE, s1  }
0xa7: {  	p0 =	sne.s32 s1, s6  }
0xa8: {  	s6 =	sshll.u32 @p0 s6, $0xE  }
0xa9: {  	s6 =	sadd.s32 @p0 $0x11B8D, s6;
	s7 =	sshll.u32 @p0 s5, $0x11  }
0xaa: {  	s6 =	sor.u32 @p0 s7, s6  }
0xab: {  	[sflag:s6] =	ssyncadd.remote.s32 @p0 $0x1;
	_ =	sdelay $0x1  }
0xac: {  	s6 =	simm.s32 @p0 $0x1B8D  }
0xad: {  	_ =	swait.eq @p0 [sflag:s6], $0x1  }
0xae: {  	[sflag:s6] =	ssyncadd.s32 @p0 $0xFFFFFFFF  }
0xaf: {  	s7 =	sshll.u32 @!p0 s1, $0xE  }
0xb0: {  	s7 =	sor.u32 @!p0 $0x4000, s7;
	s6 =	simm.s32 @!p0 $0x1B8D  }
0xb1: {  	s5 =	sshll.u32 @!p0 s5, $0x11;
	s7 =	sadd.s32 @!p0 $0x11B8D, s7;
	_ =	swait.eq @!p0 [sflag:s6], $0x1  }
0xb2: {  	s5 =	sor.u32 @!p0 s5, s7;
	[sflag:s6] =	ssyncadd.s32 @!p0 $0xFFFFFFFF  }
0xb3: {  	s25 =	simm.s32 $0x1B8E;
	s24 =	sld [smem:$0x3FFE];
	[sflag:s5] =	ssyncadd.remote.s32 @!p0 $0x1  }
0xb4: {  	s26 =	simm.s32 $execute0_lowered;
	[smem:$0x3FD2] =	sst s25  }
0xb5: {  	s6 =	sshll.u32 s26, $0x1;
	_ =	strace $0x80000049;
	[dreg:$0x1] =	wrdreg $0xFFFFFFFF  }
0xb6: {  	s28 =	simm.s32 $_size_execute0_lowered;
	s4 =	sadd.s32 s4, s6;
	[dreg:$0x0] =	wrdreg $0x0  }
0xb7: {  	s6 =	sshll.u32 s28, $0x1;
	[dreg:$0x2] =	wrdreg s4  }
0xb8: {  	[dreg:$0x3] =	wrdreg s6  }
0xb9: {  	[dreg:$0x4] =	wrdreg $0xC0  }
0xba: {  	_ =	task [dreg:s22], $0x5FFFF  }
0xbb: {  	[dreg:$0x1] =	wrdreg $0xFFFFFFFF  }
0xbc: {  	[dreg:$0x0] =	wrdreg $0x60  }
0xbd: {  	[dreg:$0x2] =	wrdreg s18  }
0xbe: {  	[dreg:$0x3] =	wrdreg s24  }
0xbf: {  	[dreg:$0x4] =	wrdreg $0xA  }
0xc0: {  	_ =	task.clear_ibuf [dreg:s22], $0x5FFFF;
	_ =	strace $0x90000049  }
0xc1: {  	s29 =	simm.s32 $0xA;
	_ =	strace $0x8000004B  }
0xc2: {  	_ =	swait.ge [sflag:s29], $0x1  }
0xc3: {  	[sflag:s29] =	ssyncadd.s32 $0xFFFFFFFF  }
0xc4: {  	_ =	strace $0x9000004B  }
0xc5: {  	_ =	sfence  }
0xc6: {  	s30 =	sld [smem:$0x0];
	_ =	sdelay $0x2  }
0xc7: {  	s31 =	sshll.u32 s1, $0xD;
	s1 =	sshrl.u32 s1, $0x2  }
0xc8: {  	s4 =	sand.u32 $0x4000, s31;
	s1 =	sadd.s32 s1, s30  }
0xc9: {  	s0 =	sor.u32 s4, s0;
	s1 =	sshll.u32 s1, $0x11  }
0xca: {  	s0 =	sor.u32 s1, s0  }
0xcb: {  	s0 =	sadd.s32 $0x8F2B, s0  }
0xcc: {  	[sflag:s0] =	ssyncadd.remote.s32 $0x1  }
0xcd: {  	_ =	sfence.sel $0xFFFF  }
0xce: {  	[dreg:$0x0] =	wrdreg $0xFFFFFFFF;
	(pc) =	sbr.abs _section_cstart, $3  }
0xcf: {  	[dreg:$0x1] =	wrdreg $0xFFFFFFFF  }
0xd0: {  	_ =	task.clear_ibuf [dreg:s22], $0x2FFFF;
	_ =	strace $0x9FFFFFFF  }
0xd1: {  	(tm) =	ssettm $0x7FFFFFFF  }
tec
execute0_lowered:
.L_overlay_start_1:
0x0: {  	(tag) =	ssettag $0x1  }
0x1: {  	s1 =	srdreg.scid  }
0x2: {  	s3 =	rddreg [dreg:$0x0];
	s0 =	stileid.u32;
	s12 =	sand.u32 $0x1, s1  }
0x3: {  	s14 =	rddreg [dreg:$0x1];
	s4 =	sshll.u32 s0, $0xA;
	s5 =	sshll.u32 s12, $0x9  }
0x4: {  	s2 =	simm.s32 $0x0;
	s1 =	rddreg [dreg:$0x2];
	s15 =	sor.u32 s5, s4  }
0x5: {  	[smem:$0x7FF] =	sst s2;
	s4 =	sshrl.u32 s15, $0x3  }
0x6: {  	_ =	strace $0x8000004A;
	s4 =	sadd.s32 s3, s4;
	s3 =	simm.s32 $0x2  }
0x7: {  	[tilespmem:s2], [sflag:$0x2] =	stream.linear.gather [hbm4b:s4+s2], $0x200, $0x38;
	[tilespmem:$0x4200] =	vst v63  }
0x8: {  	_ =	swait.ge [sflag:s3], $0x200  }
0x9: {  	s6 =	simm.s32 $0x80;
	s7 =	simm.s32 $0x200;
	[sflag:s3] =	ssyncset.done $0x0  }
0xa: {  	s8 =	simm.s32 $0x1;
	s5 =	sadd.s32 $0x10C00, s14;
	[sflag:s3] =	ssyncadd.s32 $0xFFFFFE00  }
0xb: {  	[tilespmem:s7], [sflag:$0x1] =	stream.indirect.gather [hbm4b:s5+s6], $0x20, s2, s6, $0xb8;
	[tilespmem:$0x4200] =	vst v63  }
0xc: {  	_ =	swait.ge [sflag:s8], $0x1000  }
0xd: {  	[sflag:s8] =	ssyncset.done $0x0  }
0xe: {  	s9 =	simm.s32 $0x1200;
	[sflag:s8] =	ssyncadd.s32 $0xFFFFF000  }
0xf: {  	[tilespmem:s9], [sflag:$0x1] =	stream.indirect.gather [hbm4b:s5+s6], $0x20, s6, s6, $0xb8;
	[tilespmem:$0x4200] =	vst v63  }
0x10: {  	_ =	swait.ge [sflag:s8], $0x1000  }
0x11: {  	s10 =	simm.s32 $0x100;
	s11 =	simm.s32 $0x2200;
	[sflag:s8] =	ssyncset.done $0x0  }
0x12: {  	s13 =	simm.s32 $0x3200;
	s16 =	ssub.s32 $0x2, s12;
	[sflag:s8] =	ssyncadd.s32 $0xFFFFF000  }
0x13: {  	[tilespmem:s11], [sflag:$0x1] =	stream.indirect.gather [hbm4b:s5+s6], $0x20, s10, s6, $0xb8;
	[tilespmem:$0x4200] =	vst v63  }
0x14: {  	s12 =	simm.s32 $0x180;
	s17 =	sshrl.u32 s16, $0x1;
	_ =	swait.ge [sflag:s8], $0x1000  }
0x15: {  	s15 =	sshll.u32 s15, $0x2;
	s31 =	ssub.s32 s16, s17;
	[sflag:s8] =	ssyncset.done $0x0  }
0x16: {  	s14 =	sadd.s32 s15, s14;
	s15 =	smax.u32 s31, $0x1;
	[sflag:s8] =	ssyncadd.s32 $0xFFFFF000  }
0x17: {  	[tilespmem:s13], [sflag:$0x1] =	stream.indirect.gather [hbm4b:s5+s6], $0x20, s12, s6, $0xb8;
	[tilespmem:$0x4200] =	vst v63  }
0x18: {  	p0 =	sne.s32 s15, $0x1;
	_ =	swait.ge [sflag:s8], $0x1000  }
.Ltmp0:
0x19: {  	[sflag:s8] =	ssyncset.done $0x0;
	(pc) =	sbr.rel @!p0 .LBB2_2-.Ltmp0, $4  }
0x1a: {  	s14 =	sadd.s32 $0x3E1600, s14;
	[sflag:s8] =	ssyncadd.s32 $0xFFFFF000  }
0x1b: {  	[hbm4b:s14+s2] =	stream.linear.scatter [tilespmem:s7], [sflag:$0x2], $0x4000, $0x38;
	[tilespmem:$0x4200] =	vst v63  }
0x1c: {  	_ =	swait.ge [sflag:s3], $0x4000  }
0x1d: {  	s15 =	sadd.s32 $0xFFFFFFFF, s15;
	[sflag:s3] =	ssyncset.done $0x0  }
.LBB2_1:
0x1e: {  	p0 =	sne.s32 s15, $0x1;
	s15 =	sadd.s32 $0xFFFFFFFF, s15;
	[sflag:s3] =	ssyncadd.s32 $0xFFFFC000  }
0x1f: {  	[tilespmem:s2], [sflag:$0x2] =	stream.linear.gather [hbm4b:s4+s2], $0x200, $0x38;
	[tilespmem:$0x4200] =	vst v63  }
0x20: {  	_ =	swait.ge [sflag:s3], $0x200  }
0x21: {  	[sflag:s3] =	ssyncset.done $0x0  }
0x22: {  	[sflag:s3] =	ssyncadd.s32 $0xFFFFFE00  }
0x23: {  	[tilespmem:s7], [sflag:$0x1] =	stream.indirect.gather [hbm4b:s5+s6], $0x20, s2, s6, $0xb8;
	[tilespmem:$0x4200] =	vst v63  }
0x24: {  	_ =	swait.ge [sflag:s8], $0x1000  }
0x25: {  	[sflag:s8] =	ssyncset.done $0x0  }
0x26: {  	[sflag:s8] =	ssyncadd.s32 $0xFFFFF000  }
0x27: {  	[tilespmem:s9], [sflag:$0x1] =	stream.indirect.gather [hbm4b:s5+s6], $0x20, s6, s6, $0xb8;
	[tilespmem:$0x4200] =	vst v63  }
0x28: {  	_ =	swait.ge [sflag:s8], $0x1000  }
0x29: {  	[sflag:s8] =	ssyncset.done $0x0  }
0x2a: {  	[sflag:s8] =	ssyncadd.s32 $0xFFFFF000  }
0x2b: {  	[tilespmem:s11], [sflag:$0x1] =	stream.indirect.gather [hbm4b:s5+s6], $0x20, s10, s6, $0xb8;
	[tilespmem:$0x4200] =	vst v63  }
0x2c: {  	_ =	swait.ge [sflag:s8], $0x1000  }
0x2d: {  	[sflag:s8] =	ssyncset.done $0x0  }
0x2e: {  	[sflag:s8] =	ssyncadd.s32 $0xFFFFF000  }
0x2f: {  	[tilespmem:s13], [sflag:$0x1] =	stream.indirect.gather [hbm4b:s5+s6], $0x20, s12, s6, $0xb8;
	[tilespmem:$0x4200] =	vst v63  }
0x30: {  	_ =	swait.ge [sflag:s8], $0x1000  }
.Ltmp1:
0x31: {  	[sflag:s8] =	ssyncset.done $0x0;
	(pc) =	sbr.rel @p0 .LBB2_1-.Ltmp1, $4  }
0x32: {  	[sflag:s8] =	ssyncadd.s32 $0xFFFFF000  }
0x33: {  	[hbm4b:s14+s2] =	stream.linear.scatter [tilespmem:s7], [sflag:$0x2], $0x4000, $0x38;
	[tilespmem:$0x4200] =	vst v63  }
0x34: {  	_ =	swait.ge [sflag:s3], $0x4000  }
0x35: {  	[sflag:s3] =	ssyncset.done $0x0  }
.LBB2_2:
0x36: {  	[sflag:s3] =	ssyncadd.s32 $0xFFFFC000  }
0x37: {  	_ =	sfence.sel $0x180000  }
0x38: {  	[bflag:$0x0] =	sbarrier.arrive $0xFFFF  }
0x39: {  	p0 =	sne.s32 s0, $0x0;
	_ =	strace $0x9000004A  }
0x3a: {  	s0 =	sadd.s32 @!p0 $0x100000, s1;
	[bflag:$0x2] =	sbarrier.arrive $0xFFFF  }
0x3b: {  	[sflag:s0] =	ssyncadd.tile.s32 @!p0 $0x1;
	_ =	shalt  }
.Lfunc_end2:
_tile_overlayer_lowered:
.L_overlay_start_2:
0x3c: {  	(tag) =	ssettag $0x2  }
0x3d: {  	s0 =	rddreg [dreg:$0x0];
	s2 =	stileid.u32  }
0x3e: {  	s1 =	rddreg [dreg:$0x1];
	p0 =	sne.s32 s2, $0x0  }
0x3f: {  	s3 =	rddreg [dreg:$0x2];
	[bflag:$0x3] =	sbarrier.arrive $0xFFFF;
	s2 =	simm.s32 @!p0 $0x1C02  }
0x40: {  	[timem:s3], [sflag:s2] =	dma.local @!p0 [hbm:s0], s1  }
0x41: {  	s0 =	simm.s32 @!p0 $0x2  }
0x42: {  	_ =	swait.ge @!p0 [sflag:s0], s1  }
0x43: {  	s1 =	ssub.s32 @!p0 $0x0, s1;
	[sflag:s0] =	ssyncset.done @!p0 $0x0  }
0x44: {  	[sflag:s0] =	ssyncadd.s32 @!p0 s1  }
0x45: {  	[bflag:$0x3] =	sbarrier.arrive $0xFFFF  }
0x46: {  	_ =	shalt  }

</sc_bundles>
